<compile_context>
chip_gen: v7x
topology: tpu7x:2x2x1
jax: 0.10.2.dev20260603
libtpu: 0.0.44.dev20260713+nightly
codegen_flags: <defaults>
</compile_context>

<pallas_src>
import functools

import jax
import jax.numpy as jnp
from jax import lax
from jax.experimental import pallas as pl
from jax.experimental.pallas import tpu as pltpu
from jax.experimental.pallas import tpu_sc as plsc

TOP_P = 0.8
B = 64
N = 100000
SLACK = 512
NREC = N + SLACK
W = 2048
NFULL = 48
TAIL = N - NFULL * W
TAILCH = TAIL // 16
RADIX = 32768
KMAX = (1 << 30) - 1
PAD_N = 100352
ROWS2D = 784


def _sc_sort(kin_flat):
    mesh = plsc.VectorSubcoreMesh(
        core_axis_name="c", subcore_axis_name="s", num_cores=2,
        num_subcores=16)

    @functools.partial(
        pl.kernel,
        out_type=[
            jax.ShapeDtypeStruct((B * N,), jnp.int32),
            jax.ShapeDtypeStruct((B * N,), jnp.int32),
        ],
        mesh=mesh,
        scratch_types=[
            pltpu.HBM((B * NREC, 16), jnp.int32),
            pltpu.HBM((B * NREC, 16), jnp.int32),
            pltpu.VMEM((RADIX,), jnp.int32),
            pltpu.VMEM((W,), jnp.int32),
            pltpu.VMEM((W, 16), jnp.int32),
            pltpu.VMEM((W, 16), jnp.int32),
            pltpu.VMEM((W,), jnp.int32),
            pltpu.VMEM((W,), jnp.int32),
            pltpu.VMEM((W,), jnp.int32),
            pltpu.SemaphoreType.DMA,
        ],
        compiler_params=pltpu.CompilerParams(
            needs_layout_passes=False, use_tc_tiling_on_sc=False),
    )
    def sortk(kin, skey_out, sidx_out, rec0, rec1, hist, win0, win1,
              stg, didx, ckey, cidx, sem):
        wid = lax.axis_index("s") * 2 + lax.axis_index("c")
        iota = lax.iota(jnp.int32, 16)
        zeros16 = jnp.zeros((16,), jnp.int32)
        ones16 = jnp.ones((16,), jnp.int32)

        def zero_hist():
            def zb(i, carry):
                hist[pl.ds(i * 16, 16)] = zeros16
                return carry
            lax.fori_loop(0, RADIX // 16, zb, jnp.int32(0))

        def excl_scan():
            def sb(i, carry):
                v = hist[pl.ds(i * 16, 16)]
                c = plsc.cumsum(v)
                hist[pl.ds(i * 16, 16)] = c - v + carry
                return carry + jnp.max(c)
            lax.fori_loop(0, RADIX // 16, sb, jnp.int32(0))

        def hist_chunk(d):
            counts, lastm = plsc.scan_count(d)
            plsc.addupdate_scatter(hist, [d], counts, mask=lastm)

        def run_pass(row, is_pass0):
            rbrec = row * NREC
            if is_pass0:
                src_off = row * N
                recdst = rec0
            else:
                src_off = rbrec
                recdst = rec1

            def digit(kk):
                if is_pass0:
                    return kk & jnp.int32(0x7FFF)
                return lax.shift_right_logical(kk, jnp.int32(15))

            def copy_in(w, nelems):
                if is_pass0:
                    pltpu.sync_copy(
                        kin.at[pl.ds(src_off + w * W, nelems)],
                        win0.at[pl.ds(0, nelems)])
                else:
                    pltpu.sync_copy(
                        rec0.at[pl.ds(src_off + w * W, nelems)],
                        win1.at[pl.ds(0, nelems)])

            def get_kv(c, w):
                l = c * 16 + iota
                if is_pass0:
                    kk = win0[pl.ds(c * 16, 16)]
                    vv = w * W + l
                else:
                    kk = plsc.load_gather(win1, [l, zeros16])
                    vv = plsc.load_gather(win1, [l, ones16])
                return kk, vv, l

            zero_hist()

            def hist_in(w, nelems):
                pltpu.sync_copy(
                    kin.at[pl.ds(row * N + w * W, nelems)],
                    win0.at[pl.ds(0, nelems)])

            def hw_body(w, carry):
                hist_in(w, W)
                def hc(c, cc):
                    kk = win0[pl.ds(c * 16, 16)]
                    hist_chunk(digit(kk))
                    return cc
                lax.fori_loop(0, W // 16, hc, jnp.int32(0))
                return carry
            lax.fori_loop(0, NFULL, hw_body, jnp.int32(0))
            hist_in(jnp.int32(NFULL), TAIL)
            def hct(c, cc):
                kk = win0[pl.ds(c * 16, 16)]
                hist_chunk(digit(kk))
                return cc
            lax.fori_loop(0, TAILCH, hct, jnp.int32(0))

            excl_scan()

            def stage_chunk(c, w):
                kk, vv, l = get_kv(c, w)
                d = digit(kk)
                counts, lastm = plsc.scan_count(d)
                base = plsc.load_gather(hist, [d])
                dest = base + counts - 1 + rbrec
                dest = jnp.clip(dest, 0, jnp.int32(B * NREC - 1))
                didx[pl.ds(c * 16, 16)] = dest
                plsc.store_scatter(stg, [l, zeros16], kk)
                plsc.store_scatter(stg, [l, ones16], vv)
                plsc.addupdate_scatter(hist, [d], counts, mask=lastm)

            def flush():
                pltpu.async_copy(stg, recdst.at[didx], sem).wait()

            def pw_body(w, carry):
                copy_in(w, W)
                def pc(c, cc):
                    stage_chunk(c, w)
                    return cc
                lax.fori_loop(0, W // 16, pc, jnp.int32(0))
                flush()
                return carry
            lax.fori_loop(0, NFULL, pw_body, jnp.int32(0))

            copy_in(jnp.int32(NFULL), TAIL)
            def pct(c, cc):
                stage_chunk(c, jnp.int32(NFULL))
                return cc
            lax.fori_loop(0, TAILCH, pct, jnp.int32(0))
            def padb(c, cc):
                l = c * 16 + iota
                didx[pl.ds(c * 16, 16)] = rbrec + N + (l - TAIL)
                return cc
            lax.fori_loop(TAILCH, W // 16, padb, jnp.int32(0))
            flush()

        def compact(row):
            rbrec = row * NREC
            out_off = row * N

            def cw(w, nelems):
                pltpu.sync_copy(
                    rec1.at[pl.ds(rbrec + w * W, nelems)],
                    win1.at[pl.ds(0, nelems)])
                def cb(c, cc):
                    l = c * 16 + iota
                    kk = plsc.load_gather(win1, [l, zeros16])
                    vv = plsc.load_gather(win1, [l, ones16])
                    ckey[pl.ds(c * 16, 16)] = kk
                    cidx[pl.ds(c * 16, 16)] = vv
                    return cc
                lax.fori_loop(0, nelems // 16, cb, jnp.int32(0))
                pltpu.sync_copy(
                    ckey.at[pl.ds(0, nelems)],
                    skey_out.at[pl.ds(out_off + w * W, nelems)])
                pltpu.sync_copy(
                    cidx.at[pl.ds(0, nelems)],
                    sidx_out.at[pl.ds(out_off + w * W, nelems)])

            def cwb(w, carry):
                cw(w, W)
                return carry
            lax.fori_loop(0, NFULL, cwb, jnp.int32(0))
            cw(jnp.int32(NFULL), TAIL)

        def row_body(rr, carry):
            row = wid * 2 + rr
            run_pass(row, True)
            run_pass(row, False)
            compact(row)
            return carry
        lax.fori_loop(0, 2, row_body, jnp.int32(0))

    return sortk(kin_flat)


def _topp_body(sp_ref, sidx_ref, g_ref, out_ref, tok_ref):
    p = sp_ref[0]
    sidx = sidx_ref[0]
    g = g_ref[0]

    r1 = lax.broadcasted_iota(jnp.int32, (128, 128), 0)
    c1 = lax.broadcasted_iota(jnp.int32, (128, 128), 1)
    t1 = (r1 <= c1).astype(jnp.float32)
    cum_lane = lax.dot_general(
        p, t1, (((1,), (0,)), ((), ())), precision=lax.Precision.HIGHEST)
    s_col = cum_lane[:, 127:128]
    r2 = lax.broadcasted_iota(jnp.int32, (ROWS2D, ROWS2D), 0)
    c2 = lax.broadcasted_iota(jnp.int32, (ROWS2D, ROWS2D), 1)
    t2 = (c2 < r2).astype(jnp.float32)
    carr = lax.dot_general(
        t2, s_col, (((1,), (0,)), ((), ())), precision=lax.Precision.HIGHEST)
    cum = cum_lane + carr

    keep = (cum - p) <= TOP_P
    pk = jnp.where(keep, p, 0.0)
    s = jnp.sum(pk)
    out = pk / s
    out_ref[0] = out

    t = jnp.log(out + 1e-20) + g
    m = jnp.max(t)
    pos = lax.broadcasted_iota(jnp.int32, t.shape, 0) * 128 + \
        lax.broadcasted_iota(jnp.int32, t.shape, 1)
    big = jnp.int32(2**31 - 1)
    jmin = jnp.min(jnp.where(t == m, pos, big))
    tok = jnp.max(jnp.where(pos == jmin, sidx, jnp.int32(-1)))
    tok_ref[0] = jnp.full((1, 128), tok, jnp.int32)


def kernel(logits):
    b, n = logits.shape
    probs = jax.nn.softmax(logits, axis=-1)
    kbits = lax.bitcast_convert_type(probs, jnp.int32)
    kin = (KMAX - kbits).reshape(-1)

    skey, sidx = _sc_sort(kin)
    skey = skey.reshape(B, N)
    sidx = sidx.reshape(B, N)
    sp = lax.bitcast_convert_type(KMAX - skey, jnp.float32)

    g = jax.random.gumbel(jax.random.key(42), (b, n), jnp.float32)

    pad = PAD_N - n
    spp = jnp.pad(sp, ((0, 0), (0, pad))).reshape(b, ROWS2D, 128)
    sip = jnp.pad(sidx, ((0, 0), (0, pad))).reshape(b, ROWS2D, 128)
    gg = jnp.pad(g, ((0, 0), (0, pad))).reshape(b, ROWS2D, 128)

    out, tok = pl.pallas_call(
        _topp_body,
        grid=(b,),
        in_specs=[
            pl.BlockSpec((1, ROWS2D, 128), lambda i: (i, 0, 0)),
            pl.BlockSpec((1, ROWS2D, 128), lambda i: (i, 0, 0)),
            pl.BlockSpec((1, ROWS2D, 128), lambda i: (i, 0, 0)),
        ],
        out_specs=[
            pl.BlockSpec((1, ROWS2D, 128), lambda i: (i, 0, 0)),
            pl.BlockSpec((1, 1, 128), lambda i: (i, 0, 0)),
        ],
        out_shape=[
            jax.ShapeDtypeStruct((b, ROWS2D, 128), jnp.float32),
            jax.ShapeDtypeStruct((b, 1, 128), jnp.int32),
        ],
    )(spp, sip, gg)

    sorted_probs_out = out.reshape(b, PAD_N)[:, :n]
    return (tok[:, 0, :1], sorted_probs_out)

# --- scband reference (transcript-rebuilt; emitter-appended) ---
"""Pipeline reference for scband-base-language-model-32066225832511 (READ-ONLY COPY).

The authoritative reference and input builder live on the scoring server;
editing this copy changes nothing except your own understanding.
"""

import jax, jax.numpy as jnp
import numpy as np

TOP_P = 0.8
TEMPERATURE = 1.0


def setup_inputs(seed: int = 0) -> dict:
    key = jax.random.key(seed)
    logits = jax.random.normal(key, (64, 100000), dtype=jnp.float32)
    return {"logits": logits}


def reference(logits):
    # predict_next_token: nucleus (top-p) sampling over the last-position logits.
    # The harness supplies logits already sliced to the last position: [B, V].
    scaled = logits / TEMPERATURE
    probs = jax.nn.softmax(scaled, axis=-1)
    # sort descending
    sorted_indices = jnp.argsort(-probs, axis=-1)
    sorted_probs = jnp.take_along_axis(probs, sorted_indices, axis=-1)
    cumulative_probs = jnp.cumsum(sorted_probs, axis=-1)
    sorted_mask = cumulative_probs > TOP_P
    # shift mask right by one so the first (most likely) token is always kept
    sorted_mask = jnp.concatenate(
        [jnp.zeros_like(sorted_mask[..., :1]), sorted_mask[..., :-1]], axis=-1
    )
    sorted_probs = jnp.where(sorted_mask, 0.0, sorted_probs)
    sorted_probs = sorted_probs / jnp.sum(sorted_probs, axis=-1, keepdims=True)
    # multinomial sampling of one token per row
    sample_key = jax.random.key(42)
    next_token_index = jax.random.categorical(
        sample_key, jnp.log(sorted_probs + 1e-20), axis=-1
    )
    next_token_id = jnp.take_along_axis(
        sorted_indices, next_token_index[:, None], axis=-1
    )
    return (next_token_id, sorted_probs)

if __name__ == "__main__":
    import jax
    _d = setup_inputs()
    print(jax.jit(kernel)(*tuple(_d.values())))

</pallas_src>

<mosaic_0001>
#map = affine_map<(d0, d1) -> (0)>
module attributes {stable_mosaic.version = 14 : i64} {
  func.func @sortk(%arg0: i32, %arg1: i32, %arg2: memref<6400000xi32, #tpu.memory_space<hbm>>, %arg3: memref<6400000xi32, #tpu.memory_space<hbm>>, %arg4: memref<6400000xi32, #tpu.memory_space<hbm>>, %arg5: memref<6432768x16xi32, #tpu.memory_space<hbm>>, %arg6: memref<6432768x16xi32, #tpu.memory_space<hbm>>, %arg7: memref<32768xi32, #tpu.memory_space<vmem>>, %arg8: memref<2048xi32, #tpu.memory_space<vmem>>, %arg9: memref<2048x16xi32, #tpu.memory_space<vmem>>, %arg10: memref<2048x16xi32, #tpu.memory_space<vmem>>, %arg11: memref<2048xi32, #tpu.memory_space<vmem>>, %arg12: memref<2048xi32, #tpu.memory_space<vmem>>, %arg13: memref<2048xi32, #tpu.memory_space<vmem>>, %arg14: memref<!tpu.dma_semaphore, #tpu.memory_space<semaphore_mem>>) attributes {dimension_semantics = [#tpu.dimension_semantics<core_parallel>, #tpu.dimension_semantics<subcore_parallel>], iteration_bounds = array<i64: 2, 16>, scalar_prefetch = 0 : i64, scratch_operands = 10 : i64, tpu.core_type = #tpu.core_type<sc_vector_subcore>, window_params = [{transform_indices = #map}, {transform_indices = #map}, {transform_indices = #map}]} {
    %mul3A = arith.constant 2 : i32
    %mul3A_0 = arith.muli %arg1, %mul3A : i32
    %add3A = arith.addi %mul3A_0, %arg0 : i32
    %iota3A = tpu.iota {dimensions = array<i32: 0>} : vector<16xi32>
    %broadcast_in_dim3A = arith.constant 0 : i32
    %broadcast_in_dim3A_1 = vector.broadcast %broadcast_in_dim3A : i32 to vector<16xi32>
    %broadcast_in_dim3A_2 = arith.constant 1 : i32
    %broadcast_in_dim3A_3 = vector.broadcast %broadcast_in_dim3A_2 : i32 to vector<16xi32>
    %scan3A = arith.constant 0 : i32
    %scan3A_4 = arith.constant 0 : i32
    %scan3A_5 = arith.constant 2 : i32
    %scan3A_6 = arith.addi %scan3A_4, %scan3A_5 : i32
    %scan3A_7 = arith.constant 1 : i32
    scf.for %scan3A_9 = %scan3A_4 to %scan3A_6 step %scan3A_7  : i32 {
      %mul3A_10 = arith.constant 2 : i32
      %mul3A_11 = arith.muli %add3A, %mul3A_10 : i32
      %add3A_12 = arith.addi %mul3A_11, %scan3A_9 : i32
      %mul3A_13 = arith.constant 100512 : i32
      %mul3A_14 = arith.muli %add3A_12, %mul3A_13 : i32
      %mul3A_15 = arith.constant 100000 : i32
      %mul3A_16 = arith.muli %add3A_12, %mul3A_15 : i32
      %scan3A_17 = arith.constant 0 : i32
      %scan3A_18 = arith.constant 0 : i32
      %scan3A_19 = arith.constant 2048 : i32
      %scan3A_20 = arith.addi %scan3A_18, %scan3A_19 : i32
      %scan3A_21 = arith.constant 1 : i32
      scf.for %scan3A_163 = %scan3A_18 to %scan3A_20 step %scan3A_21  : i32 {
        %mul3A_164 = arith.constant 16 : i32
        %mul3A_165 = arith.muli %scan3A_163, %mul3A_164 : i32
        %swap3A = arith.index_cast %mul3A_165 : i32 to index
        %swap3A_166 = tpu.vector_load %arg7[%swap3A] {strides = array<i32>} : memref<32768xi32, #tpu.memory_space<vmem>>, vector<16xi32>,
        tpu.vector_store %arg7[%swap3A], %broadcast_in_dim3A_1 {strides = array<i32>} : memref<32768xi32, #tpu.memory_space<vmem>>, vector<16xi32>,
      }
      %scan3A_22 = arith.constant 2048 : i32
      %scan3A_23 = arith.constant 0 : i32
      %scan3A_24 = arith.constant 0 : i32
      %scan3A_25 = arith.constant 48 : i32
      %scan3A_26 = arith.addi %scan3A_24, %scan3A_25 : i32
      %scan3A_27 = arith.constant 1 : i32
      scf.for %scan3A_163 = %scan3A_24 to %scan3A_26 step %scan3A_27  : i32 {
        %mul3A_164 = arith.constant 100000 : i32
        %mul3A_165 = arith.muli %add3A_12, %mul3A_164 : i32
        %mul3A_166 = arith.constant 2048 : i32
        %mul3A_167 = arith.muli %scan3A_163, %mul3A_166 : i32
        %add3A_168 = arith.addi %mul3A_165, %mul3A_167 : i32
        "tpu.region"() ({
          %run_scoped3A = tpu.sem_alloc : memref<!tpu.dma_semaphore, #tpu.memory_space<semaphore_mem>>
          %dma_start3A_175 = arith.constant 0 : i32
          %dma_start3A_176 = tpu.memref_slice %arg8[%dma_start3A_175] : memref<2048xi32, #tpu.memory_space<vmem>> -> memref<2048xi32, #tpu.memory_space<vmem>>
          %dma_start3A_177 = tpu.memref_slice %arg2[%add3A_168] : memref<6400000xi32, #tpu.memory_space<hbm>> -> memref<2048xi32, #tpu.memory_space<hbm>>
          %dma_start3A_178 = arith.constant 0 : i32
          %dma_start3A_179 = tpu.memref_slice %arg8[%dma_start3A_178] : memref<2048xi32, #tpu.memory_space<vmem>> -> memref<2048xi32, #tpu.memory_space<vmem>>
          %dma_start3A_180 = tpu.memref_slice %arg2[%add3A_168] : memref<6400000xi32, #tpu.memory_space<hbm>> -> memref<2048xi32, #tpu.memory_space<hbm>>
          tpu.enqueue_dma source(%dma_start3A_180 : memref<2048xi32, #tpu.memory_space<hbm>>) target(%dma_start3A_179 : memref<2048xi32, #tpu.memory_space<vmem>>) target_semaphore(%run_scoped3A : memref<!tpu.dma_semaphore, #tpu.memory_space<semaphore_mem>>)
          %dma_wait3A_181 = arith.constant 0 : i32
          %dma_wait3A_182 = tpu.memref_slice %arg8[%dma_wait3A_181] : memref<2048xi32, #tpu.memory_space<vmem>> -> memref<2048xi32, #tpu.memory_space<vmem>>
          %dma_wait3A_183 = tpu.memref_slice %arg2[%add3A_168] : memref<6400000xi32, #tpu.memory_space<hbm>> -> memref<2048xi32, #tpu.memory_space<hbm>>
          %dma_wait3A_184 = arith.constant 0 : i32
          %dma_wait3A_185 = tpu.memref_slice %arg8[%dma_wait3A_184] : memref<2048xi32, #tpu.memory_space<vmem>> -> memref<2048xi32, #tpu.memory_space<vmem>>
          %dma_wait3A_186 = tpu.memref_slice %arg2[%add3A_168] : memref<6400000xi32, #tpu.memory_space<hbm>> -> memref<2048xi32, #tpu.memory_space<hbm>>
          tpu.wait_dma2 semaphore(%run_scoped3A : memref<!tpu.dma_semaphore, #tpu.memory_space<semaphore_mem>>) src(%dma_wait3A_186 : memref<2048xi32, #tpu.memory_space<hbm>>) dst(%dma_wait3A_185 : memref<2048xi32, #tpu.memory_space<vmem>>)
          tpu.yield
        }) : () -> ()
        %scan3A_169 = arith.constant 0 : i32
        %scan3A_170 = arith.constant 0 : i32
        %scan3A_171 = arith.constant 128 : i32
        %scan3A_172 = arith.addi %scan3A_170, %scan3A_171 : i32
        %scan3A_173 = arith.constant 1 : i32
        scf.for %scan3A_175 = %scan3A_170 to %scan3A_172 step %scan3A_173  : i32 {
          %mul3A_176 = arith.constant 16 : i32
          %mul3A_177 = arith.muli %scan3A_175, %mul3A_176 : i32
          %get3A = arith.index_cast %mul3A_177 : i32 to index
          %get3A_178 = tpu.vector_load %arg8[%get3A] {strides = array<i32>} : memref<2048xi32, #tpu.memory_space<vmem>>, vector<16xi32>,
          %and3A = arith.constant 32767 : i32
          %and3A_179 = vector.broadcast %and3A : i32 to vector<16xi32>
          %and3A_180 = arith.andi %get3A_178, %and3A_179 : vector<16xi32>
          %broadcast_in_dim3A_181 = arith.constant true
          %broadcast_in_dim3A_182 = vector.broadcast %broadcast_in_dim3A_181 : i1 to vector<16xi1>
          %unique3A, %unique3A_183 = tpu.scan_count mask(%broadcast_in_dim3A_182 : vector<16xi1>) value(%and3A_180 : vector<16xi32>) : vector<16xi1>, vector<16xi32>
          tpu.vector_store_idx %arg7[%and3A_180], %unique3A_183 masked %unique3A {add = true} : memref<32768xi32, #tpu.memory_space<vmem>>[vector<16xi32>], vector<16xi32>, vector<16xi1>
        }
        %scan3A_174 = arith.constant 128 : i32
      }
      %scan3A_28 = arith.constant 48 : i32
      %mul3A_29 = arith.constant 100000 : i32
      %mul3A_30 = arith.muli %add3A_12, %mul3A_29 : i32
      %mul3A_31 = arith.constant 48 : i32
      %mul3A_32 = arith.constant 2048 : i32
      %mul3A_33 = arith.muli %mul3A_31, %mul3A_32 : i32
      %add3A_34 = arith.addi %mul3A_30, %mul3A_33 : i32
      "tpu.region"() ({
        %run_scoped3A = tpu.sem_alloc : memref<!tpu.dma_semaphore, #tpu.memory_space<semaphore_mem>>
        %dma_start3A_163 = arith.constant 0 : i32
        %dma_start3A_164 = tpu.memref_slice %arg8[%dma_start3A_163] : memref<2048xi32, #tpu.memory_space<vmem>> -> memref<1696xi32, #tpu.memory_space<vmem>>
        %dma_start3A_165 = tpu.memref_slice %arg2[%add3A_34] : memref<6400000xi32, #tpu.memory_space<hbm>> -> memref<1696xi32, #tpu.memory_space<hbm>>
        %dma_start3A_166 = arith.constant 0 : i32
        %dma_start3A_167 = tpu.memref_slice %arg8[%dma_start3A_166] : memref<2048xi32, #tpu.memory_space<vmem>> -> memref<1696xi32, #tpu.memory_space<vmem>>
        %dma_start3A_168 = tpu.memref_slice %arg2[%add3A_34] : memref<6400000xi32, #tpu.memory_space<hbm>> -> memref<1696xi32, #tpu.memory_space<hbm>>
        tpu.enqueue_dma source(%dma_start3A_168 : memref<1696xi32, #tpu.memory_space<hbm>>) target(%dma_start3A_167 : memref<1696xi32, #tpu.memory_space<vmem>>) target_semaphore(%run_scoped3A : memref<!tpu.dma_semaphore, #tpu.memory_space<semaphore_mem>>)
        %dma_wait3A_169 = arith.constant 0 : i32
        %dma_wait3A_170 = tpu.memref_slice %arg8[%dma_wait3A_169] : memref<2048xi32, #tpu.memory_space<vmem>> -> memref<1696xi32, #tpu.memory_space<vmem>>
        %dma_wait3A_171 = tpu.memref_slice %arg2[%add3A_34] : memref<6400000xi32, #tpu.memory_space<hbm>> -> memref<1696xi32, #tpu.memory_space<hbm>>
        %dma_wait3A_172 = arith.constant 0 : i32
        %dma_wait3A_173 = tpu.memref_slice %arg8[%dma_wait3A_172] : memref<2048xi32, #tpu.memory_space<vmem>> -> memref<1696xi32, #tpu.memory_space<vmem>>
        %dma_wait3A_174 = tpu.memref_slice %arg2[%add3A_34] : memref<6400000xi32, #tpu.memory_space<hbm>> -> memref<1696xi32, #tpu.memory_space<hbm>>
        tpu.wait_dma2 semaphore(%run_scoped3A : memref<!tpu.dma_semaphore, #tpu.memory_space<semaphore_mem>>) src(%dma_wait3A_174 : memref<1696xi32, #tpu.memory_space<hbm>>) dst(%dma_wait3A_173 : memref<1696xi32, #tpu.memory_space<vmem>>)
        tpu.yield
      }) : () -> ()
      %scan3A_35 = arith.constant 0 : i32
      %scan3A_36 = arith.constant 0 : i32
      %scan3A_37 = arith.constant 106 : i32
      %scan3A_38 = arith.addi %scan3A_36, %scan3A_37 : i32
      %scan3A_39 = arith.constant 1 : i32
      scf.for %scan3A_163 = %scan3A_36 to %scan3A_38 step %scan3A_39  : i32 {
        %mul3A_164 = arith.constant 16 : i32
        %mul3A_165 = arith.muli %scan3A_163, %mul3A_164 : i32
        %get3A = arith.index_cast %mul3A_165 : i32 to index
        %get3A_166 = tpu.vector_load %arg8[%get3A] {strides = array<i32>} : memref<2048xi32, #tpu.memory_space<vmem>>, vector<16xi32>,
        %and3A = arith.constant 32767 : i32
        %and3A_167 = vector.broadcast %and3A : i32 to vector<16xi32>
        %and3A_168 = arith.andi %get3A_166, %and3A_167 : vector<16xi32>
        %broadcast_in_dim3A_169 = arith.constant true
        %broadcast_in_dim3A_170 = vector.broadcast %broadcast_in_dim3A_169 : i1 to vector<16xi1>
        %unique3A, %unique3A_171 = tpu.scan_count mask(%broadcast_in_dim3A_170 : vector<16xi1>) value(%and3A_168 : vector<16xi32>) : vector<16xi1>, vector<16xi32>
        tpu.vector_store_idx %arg7[%and3A_168], %unique3A_171 masked %unique3A {add = true} : memref<32768xi32, #tpu.memory_space<vmem>>[vector<16xi32>], vector<16xi32>, vector<16xi1>
      }
      %scan3A_40 = arith.constant 106 : i32
      %scan3A_41 = arith.constant 0 : i32
      %scan3A_42 = arith.constant 0 : i32
      %scan3A_43 = arith.constant 2048 : i32
      %scan3A_44 = arith.addi %scan3A_42, %scan3A_43 : i32
      %scan3A_45 = arith.constant 1 : i32
      %scan3A_46 = scf.for %scan3A_163 = %scan3A_42 to %scan3A_44 step %scan3A_45 iter_args(%scan3A_164 = %scan3A_41) -> (i32)  : i32 {
        %mul3A_165 = arith.constant 16 : i32
        %mul3A_166 = arith.muli %scan3A_163, %mul3A_165 : i32
        %get3A = arith.index_cast %mul3A_166 : i32 to index
        %get3A_167 = tpu.vector_load %arg7[%get3A] {strides = array<i32>} : memref<32768xi32, #tpu.memory_space<vmem>>, vector<16xi32>,
        %broadcast_in_dim3A_168 = arith.constant true
        %broadcast_in_dim3A_169 = vector.broadcast %broadcast_in_dim3A_168 : i1 to vector<16xi1>
        %masked_cumsum3A = tpu.scan <sum>, %get3A_167 masked %broadcast_in_dim3A_169 : vector<16xi32>, vector<16xi1> -> vector<16xi32>
        %sub3A = arith.subi %masked_cumsum3A, %get3A_167 : vector<16xi32>
        %add3A_170 = vector.broadcast %scan3A_164 : i32 to vector<16xi32>
        %add3A_171 = arith.addi %sub3A, %add3A_170 : vector<16xi32>
        %mul3A_172 = arith.constant 16 : i32
        %mul3A_173 = arith.muli %scan3A_163, %mul3A_172 : i32
        %swap3A = arith.index_cast %mul3A_173 : i32 to index
        %swap3A_174 = tpu.vector_load %arg7[%swap3A] {strides = array<i32>} : memref<32768xi32, #tpu.memory_space<vmem>>, vector<16xi32>,
        tpu.vector_store %arg7[%swap3A], %add3A_171 {strides = array<i32>} : memref<32768xi32, #tpu.memory_space<vmem>>, vector<16xi32>,
        %reduce_max3A = arith.constant true
        %reduce_max3A_175 = vector.broadcast %reduce_max3A : i1 to vector<16xi1>
        %reduce_max3A_176 = arith.constant -2147483648 : i32
        %reduce_max3A_177 = vector.broadcast %reduce_max3A_176 : i32 to vector<16xi32>
        %reduce_max3A_178 = arith.xori %masked_cumsum3A, %reduce_max3A_177 : vector<16xi32>
        %reduce_max3A_179 = tpu.scan <max>, %reduce_max3A_178 masked %reduce_max3A_175 : vector<16xi32>, vector<16xi1> -> vector<16xi32>
        %reduce_max3A_180 = arith.xori %reduce_max3A_179, %reduce_max3A_177 : vector<16xi32>
        %reduce_max3A_181 = vector.extract %reduce_max3A_180[15] : i32 from vector<16xi32>
        %add3A_182 = arith.addi %scan3A_164, %reduce_max3A_181 : i32
        scf.yield %add3A_182 : i32
      }
      %scan3A_47 = arith.constant 2048 : i32
      %scan3A_48 = arith.constant 0 : i32
      %scan3A_49 = arith.constant 0 : i32
      %scan3A_50 = arith.constant 48 : i32
      %scan3A_51 = arith.addi %scan3A_49, %scan3A_50 : i32
      %scan3A_52 = arith.constant 1 : i32
      scf.for %scan3A_163 = %scan3A_49 to %scan3A_51 step %scan3A_52  : i32 {
        %mul3A_164 = arith.constant 2048 : i32
        %mul3A_165 = arith.muli %scan3A_163, %mul3A_164 : i32
        %add3A_166 = arith.addi %mul3A_16, %mul3A_165 : i32
        "tpu.region"() ({
          %run_scoped3A = tpu.sem_alloc : memref<!tpu.dma_semaphore, #tpu.memory_space<semaphore_mem>>
          %dma_start3A_179 = arith.constant 0 : i32
          %dma_start3A_180 = tpu.memref_slice %arg8[%dma_start3A_179] : memref<2048xi32, #tpu.memory_space<vmem>> -> memref<2048xi32, #tpu.memory_space<vmem>>
          %dma_start3A_181 = tpu.memref_slice %arg2[%add3A_166] : memref<6400000xi32, #tpu.memory_space<hbm>> -> memref<2048xi32, #tpu.memory_space<hbm>>
          %dma_start3A_182 = arith.constant 0 : i32
          %dma_start3A_183 = tpu.memref_slice %arg8[%dma_start3A_182] : memref<2048xi32, #tpu.memory_space<vmem>> -> memref<2048xi32, #tpu.memory_space<vmem>>
          %dma_start3A_184 = tpu.memref_slice %arg2[%add3A_166] : memref<6400000xi32, #tpu.memory_space<hbm>> -> memref<2048xi32, #tpu.memory_space<hbm>>
          tpu.enqueue_dma source(%dma_start3A_184 : memref<2048xi32, #tpu.memory_space<hbm>>) target(%dma_start3A_183 : memref<2048xi32, #tpu.memory_space<vmem>>) target_semaphore(%run_scoped3A : memref<!tpu.dma_semaphore, #tpu.memory_space<semaphore_mem>>)
          %dma_wait3A_185 = arith.constant 0 : i32
          %dma_wait3A_186 = tpu.memref_slice %arg8[%dma_wait3A_185] : memref<2048xi32, #tpu.memory_space<vmem>> -> memref<2048xi32, #tpu.memory_space<vmem>>
          %dma_wait3A_187 = tpu.memref_slice %arg2[%add3A_166] : memref<6400000xi32, #tpu.memory_space<hbm>> -> memref<2048xi32, #tpu.memory_space<hbm>>
          %dma_wait3A_188 = arith.constant 0 : i32
          %dma_wait3A_189 = tpu.memref_slice %arg8[%dma_wait3A_188] : memref<2048xi32, #tpu.memory_space<vmem>> -> memref<2048xi32, #tpu.memory_space<vmem>>
          %dma_wait3A_190 = tpu.memref_slice %arg2[%add3A_166] : memref<6400000xi32, #tpu.memory_space<hbm>> -> memref<2048xi32, #tpu.memory_space<hbm>>
          tpu.wait_dma2 semaphore(%run_scoped3A : memref<!tpu.dma_semaphore, #tpu.memory_space<semaphore_mem>>) src(%dma_wait3A_190 : memref<2048xi32, #tpu.memory_space<hbm>>) dst(%dma_wait3A_189 : memref<2048xi32, #tpu.memory_space<vmem>>)
          tpu.yield
        }) : () -> ()
        %scan3A_167 = arith.constant 0 : i32
        %scan3A_168 = arith.constant 0 : i32
        %scan3A_169 = arith.constant 128 : i32
        %scan3A_170 = arith.addi %scan3A_168, %scan3A_169 : i32
        %scan3A_171 = arith.constant 1 : i32
        scf.for %scan3A_179 = %scan3A_168 to %scan3A_170 step %scan3A_171  : i32 {
          %mul3A_180 = arith.constant 16 : i32
          %mul3A_181 = arith.muli %scan3A_179, %mul3A_180 : i32
          %add3A_182 = vector.broadcast %mul3A_181 : i32 to vector<16xi32>
          %add3A_183 = arith.addi %add3A_182, %iota3A : vector<16xi32>
          %mul3A_184 = arith.constant 16 : i32
          %mul3A_185 = arith.muli %scan3A_179, %mul3A_184 : i32
          %get3A = arith.index_cast %mul3A_185 : i32 to index
          %get3A_186 = tpu.vector_load %arg8[%get3A] {strides = array<i32>} : memref<2048xi32, #tpu.memory_space<vmem>>, vector<16xi32>,
          %mul3A_187 = arith.constant 2048 : i32
          %mul3A_188 = arith.muli %scan3A_163, %mul3A_187 : i32
          %add3A_189 = vector.broadcast %mul3A_188 : i32 to vector<16xi32>
          %add3A_190 = arith.addi %add3A_189, %add3A_183 : vector<16xi32>
          %and3A = arith.constant 32767 : i32
          %and3A_191 = vector.broadcast %and3A : i32 to vector<16xi32>
          %and3A_192 = arith.andi %get3A_186, %and3A_191 : vector<16xi32>
          %broadcast_in_dim3A_193 = arith.constant true
          %broadcast_in_dim3A_194 = vector.broadcast %broadcast_in_dim3A_193 : i1 to vector<16xi1>
          %unique3A, %unique3A_195 = tpu.scan_count mask(%broadcast_in_dim3A_194 : vector<16xi1>) value(%and3A_192 : vector<16xi32>) : vector<16xi1>, vector<16xi32>
          %gather3A = tpu.vector_load_idx %arg7[%and3A_192] : memref<32768xi32, #tpu.memory_space<vmem>>[vector<16xi32>], vector<16xi32>,
          %add3A_196 = arith.addi %gather3A, %unique3A_195 : vector<16xi32>
          %sub3A = arith.constant 1 : i32
          %sub3A_197 = vector.broadcast %sub3A : i32 to vector<16xi32>
          %sub3A_198 = arith.subi %add3A_196, %sub3A_197 : vector<16xi32>
          %add3A_199 = vector.broadcast %mul3A_14 : i32 to vector<16xi32>
          %add3A_200 = arith.addi %sub3A_198, %add3A_199 : vector<16xi32>
          %jit3A = arith.constant 0 : i32
          %jit3A_201 = arith.constant 6432767 : i32
          %max3A = vector.broadcast %jit3A : i32 to vector<16xi32>
          %max3A_202 = arith.maxsi %max3A, %add3A_200 : vector<16xi32>
          %min3A = vector.broadcast %jit3A_201 : i32 to vector<16xi32>
          %min3A_203 = arith.minsi %min3A, %max3A_202 : vector<16xi32>
          %mul3A_204 = arith.constant 16 : i32
          %mul3A_205 = arith.muli %scan3A_179, %mul3A_204 : i32
          %swap3A = arith.index_cast %mul3A_205 : i32 to index
          %swap3A_206 = tpu.vector_load %arg11[%swap3A] {strides = array<i32>} : memref<2048xi32, #tpu.memory_space<vmem>>, vector<16xi32>,
          tpu.vector_store %arg11[%swap3A], %min3A_203 {strides = array<i32>} : memref<2048xi32, #tpu.memory_space<vmem>>, vector<16xi32>,
          tpu.vector_store_idx %arg10[%add3A_183, %broadcast_in_dim3A_1], %get3A_186 : memref<2048x16xi32, #tpu.memory_space<vmem>>[vector<16xi32>, vector<16xi32>], vector<16xi32>,
          tpu.vector_store_idx %arg10[%add3A_183, %broadcast_in_dim3A_3], %add3A_190 : memref<2048x16xi32, #tpu.memory_space<vmem>>[vector<16xi32>, vector<16xi32>], vector<16xi32>,
          tpu.vector_store_idx %arg7[%and3A_192], %unique3A_195 masked %unique3A {add = true} : memref<32768xi32, #tpu.memory_space<vmem>>[vector<16xi32>], vector<16xi32>, vector<16xi1>
        }
        %scan3A_172 = arith.constant 128 : i32
        %dma_start3A_173 = arith.constant 0 : i32
        %dma_start3A_174 = arith.constant 0 : i32
        %dma_start3A_175 = tpu.memref_slice %arg5[%dma_start3A_173, %dma_start3A_174] : memref<6432768x16xi32, #tpu.memory_space<hbm>> -> memref<6432768x16xi32, #tpu.memory_space<hbm>>
        tpu.enqueue_indirect_dma source(%arg10 : memref<2048x16xi32, #tpu.memory_space<vmem>>) target(%dma_start3A_175 : memref<6432768x16xi32, #tpu.memory_space<hbm>>) offsets(%arg11 : memref<2048xi32, #tpu.memory_space<vmem>>) semaphore(%arg14 : memref<!tpu.dma_semaphore, #tpu.memory_space<semaphore_mem>>)
        %dma_wait3A_176 = arith.constant 0 : i32
        %dma_wait3A_177 = arith.constant 0 : i32
        %dma_wait3A_178 = tpu.memref_slice %arg5[%dma_wait3A_176, %dma_wait3A_177] : memref<6432768x16xi32, #tpu.memory_space<hbm>> -> memref<6432768x16xi32, #tpu.memory_space<hbm>>
        tpu.wait_indirect_dma semaphore(%arg14 : memref<!tpu.dma_semaphore, #tpu.memory_space<semaphore_mem>>) src(%arg10 : memref<2048x16xi32, #tpu.memory_space<vmem>>) dst(%dma_wait3A_178 : memref<6432768x16xi32, #tpu.memory_space<hbm>>)
      }
      %scan3A_53 = arith.constant 48 : i32
      %mul3A_54 = arith.constant 48 : i32
      %mul3A_55 = arith.constant 2048 : i32
      %mul3A_56 = arith.muli %mul3A_54, %mul3A_55 : i32
      %add3A_57 = arith.addi %mul3A_16, %mul3A_56 : i32
      "tpu.region"() ({
        %run_scoped3A = tpu.sem_alloc : memref<!tpu.dma_semaphore, #tpu.memory_space<semaphore_mem>>
        %dma_start3A_163 = arith.constant 0 : i32
        %dma_start3A_164 = tpu.memref_slice %arg8[%dma_start3A_163] : memref<2048xi32, #tpu.memory_space<vmem>> -> memref<1696xi32, #tpu.memory_space<vmem>>
        %dma_start3A_165 = tpu.memref_slice %arg2[%add3A_57] : memref<6400000xi32, #tpu.memory_space<hbm>> -> memref<1696xi32, #tpu.memory_space<hbm>>
        %dma_start3A_166 = arith.constant 0 : i32
        %dma_start3A_167 = tpu.memref_slice %arg8[%dma_start3A_166] : memref<2048xi32, #tpu.memory_space<vmem>> -> memref<1696xi32, #tpu.memory_space<vmem>>
        %dma_start3A_168 = tpu.memref_slice %arg2[%add3A_57] : memref<6400000xi32, #tpu.memory_space<hbm>> -> memref<1696xi32, #tpu.memory_space<hbm>>
        tpu.enqueue_dma source(%dma_start3A_168 : memref<1696xi32, #tpu.memory_space<hbm>>) target(%dma_start3A_167 : memref<1696xi32, #tpu.memory_space<vmem>>) target_semaphore(%run_scoped3A : memref<!tpu.dma_semaphore, #tpu.memory_space<semaphore_mem>>)
        %dma_wait3A_169 = arith.constant 0 : i32
        %dma_wait3A_170 = tpu.memref_slice %arg8[%dma_wait3A_169] : memref<2048xi32, #tpu.memory_space<vmem>> -> memref<1696xi32, #tpu.memory_space<vmem>>
        %dma_wait3A_171 = tpu.memref_slice %arg2[%add3A_57] : memref<6400000xi32, #tpu.memory_space<hbm>> -> memref<1696xi32, #tpu.memory_space<hbm>>
        %dma_wait3A_172 = arith.constant 0 : i32
        %dma_wait3A_173 = tpu.memref_slice %arg8[%dma_wait3A_172] : memref<2048xi32, #tpu.memory_space<vmem>> -> memref<1696xi32, #tpu.memory_space<vmem>>
        %dma_wait3A_174 = tpu.memref_slice %arg2[%add3A_57] : memref<6400000xi32, #tpu.memory_space<hbm>> -> memref<1696xi32, #tpu.memory_space<hbm>>
        tpu.wait_dma2 semaphore(%run_scoped3A : memref<!tpu.dma_semaphore, #tpu.memory_space<semaphore_mem>>) src(%dma_wait3A_174 : memref<1696xi32, #tpu.memory_space<hbm>>) dst(%dma_wait3A_173 : memref<1696xi32, #tpu.memory_space<vmem>>)
        tpu.yield
      }) : () -> ()
      %scan3A_58 = arith.constant 0 : i32
      %scan3A_59 = arith.constant 0 : i32
      %scan3A_60 = arith.constant 106 : i32
      %scan3A_61 = arith.addi %scan3A_59, %scan3A_60 : i32
      %scan3A_62 = arith.constant 1 : i32
      scf.for %scan3A_163 = %scan3A_59 to %scan3A_61 step %scan3A_62  : i32 {
        %mul3A_164 = arith.constant 16 : i32
        %mul3A_165 = arith.muli %scan3A_163, %mul3A_164 : i32
        %add3A_166 = vector.broadcast %mul3A_165 : i32 to vector<16xi32>
        %add3A_167 = arith.addi %add3A_166, %iota3A : vector<16xi32>
        %mul3A_168 = arith.constant 16 : i32
        %mul3A_169 = arith.muli %scan3A_163, %mul3A_168 : i32
        %get3A = arith.index_cast %mul3A_169 : i32 to index
        %get3A_170 = tpu.vector_load %arg8[%get3A] {strides = array<i32>} : memref<2048xi32, #tpu.memory_space<vmem>>, vector<16xi32>,
        %mul3A_171 = arith.constant 48 : i32
        %mul3A_172 = arith.constant 2048 : i32
        %mul3A_173 = arith.muli %mul3A_171, %mul3A_172 : i32
        %add3A_174 = vector.broadcast %mul3A_173 : i32 to vector<16xi32>
        %add3A_175 = arith.addi %add3A_174, %add3A_167 : vector<16xi32>
        %and3A = arith.constant 32767 : i32
        %and3A_176 = vector.broadcast %and3A : i32 to vector<16xi32>
        %and3A_177 = arith.andi %get3A_170, %and3A_176 : vector<16xi32>
        %broadcast_in_dim3A_178 = arith.constant true
        %broadcast_in_dim3A_179 = vector.broadcast %broadcast_in_dim3A_178 : i1 to vector<16xi1>
        %unique3A, %unique3A_180 = tpu.scan_count mask(%broadcast_in_dim3A_179 : vector<16xi1>) value(%and3A_177 : vector<16xi32>) : vector<16xi1>, vector<16xi32>
        %gather3A = tpu.vector_load_idx %arg7[%and3A_177] : memref<32768xi32, #tpu.memory_space<vmem>>[vector<16xi32>], vector<16xi32>,
        %add3A_181 = arith.addi %gather3A, %unique3A_180 : vector<16xi32>
        %sub3A = arith.constant 1 : i32
        %sub3A_182 = vector.broadcast %sub3A : i32 to vector<16xi32>
        %sub3A_183 = arith.subi %add3A_181, %sub3A_182 : vector<16xi32>
        %add3A_184 = vector.broadcast %mul3A_14 : i32 to vector<16xi32>
        %add3A_185 = arith.addi %sub3A_183, %add3A_184 : vector<16xi32>
        %jit3A = arith.constant 0 : i32
        %jit3A_186 = arith.constant 6432767 : i32
        %max3A = vector.broadcast %jit3A : i32 to vector<16xi32>
        %max3A_187 = arith.maxsi %max3A, %add3A_185 : vector<16xi32>
        %min3A = vector.broadcast %jit3A_186 : i32 to vector<16xi32>
        %min3A_188 = arith.minsi %min3A, %max3A_187 : vector<16xi32>
        %mul3A_189 = arith.constant 16 : i32
        %mul3A_190 = arith.muli %scan3A_163, %mul3A_189 : i32
        %swap3A = arith.index_cast %mul3A_190 : i32 to index
        %swap3A_191 = tpu.vector_load %arg11[%swap3A] {strides = array<i32>} : memref<2048xi32, #tpu.memory_space<vmem>>, vector<16xi32>,
        tpu.vector_store %arg11[%swap3A], %min3A_188 {strides = array<i32>} : memref<2048xi32, #tpu.memory_space<vmem>>, vector<16xi32>,
        tpu.vector_store_idx %arg10[%add3A_167, %broadcast_in_dim3A_1], %get3A_170 : memref<2048x16xi32, #tpu.memory_space<vmem>>[vector<16xi32>, vector<16xi32>], vector<16xi32>,
        tpu.vector_store_idx %arg10[%add3A_167, %broadcast_in_dim3A_3], %add3A_175 : memref<2048x16xi32, #tpu.memory_space<vmem>>[vector<16xi32>, vector<16xi32>], vector<16xi32>,
        tpu.vector_store_idx %arg7[%and3A_177], %unique3A_180 masked %unique3A {add = true} : memref<32768xi32, #tpu.memory_space<vmem>>[vector<16xi32>], vector<16xi32>, vector<16xi1>
      }
      %scan3A_63 = arith.constant 106 : i32
      %scan3A_64 = arith.constant 0 : i32
      %scan3A_65 = arith.constant 106 : i32
      %scan3A_66 = arith.constant 22 : i32
      %scan3A_67 = arith.addi %scan3A_65, %scan3A_66 : i32
      %scan3A_68 = arith.constant 1 : i32
      scf.for %scan3A_163 = %scan3A_65 to %scan3A_67 step %scan3A_68  : i32 {
        %mul3A_164 = arith.constant 16 : i32
        %mul3A_165 = arith.muli %scan3A_163, %mul3A_164 : i32
        %add3A_166 = vector.broadcast %mul3A_165 : i32 to vector<16xi32>
        %add3A_167 = arith.addi %add3A_166, %iota3A : vector<16xi32>
        %add3A_168 = arith.constant 100000 : i32
        %add3A_169 = arith.addi %mul3A_14, %add3A_168 : i32
        %sub3A = arith.constant 1696 : i32
        %sub3A_170 = vector.broadcast %sub3A : i32 to vector<16xi32>
        %sub3A_171 = arith.subi %add3A_167, %sub3A_170 : vector<16xi32>
        %add3A_172 = vector.broadcast %add3A_169 : i32 to vector<16xi32>
        %add3A_173 = arith.addi %add3A_172, %sub3A_171 : vector<16xi32>
        %mul3A_174 = arith.constant 16 : i32
        %mul3A_175 = arith.muli %scan3A_163, %mul3A_174 : i32
        %swap3A = arith.index_cast %mul3A_175 : i32 to index
        %swap3A_176 = tpu.vector_load %arg11[%swap3A] {strides = array<i32>} : memref<2048xi32, #tpu.memory_space<vmem>>, vector<16xi32>,
        tpu.vector_store %arg11[%swap3A], %add3A_173 {strides = array<i32>} : memref<2048xi32, #tpu.memory_space<vmem>>, vector<16xi32>,
      }
      %scan3A_69 = arith.constant 22 : i32
      %dma_start3A = arith.constant 0 : i32
      %dma_start3A_70 = arith.constant 0 : i32
      %dma_start3A_71 = tpu.memref_slice %arg5[%dma_start3A, %dma_start3A_70] : memref<6432768x16xi32, #tpu.memory_space<hbm>> -> memref<6432768x16xi32, #tpu.memory_space<hbm>>
      tpu.enqueue_indirect_dma source(%arg10 : memref<2048x16xi32, #tpu.memory_space<vmem>>) target(%dma_start3A_71 : memref<6432768x16xi32, #tpu.memory_space<hbm>>) offsets(%arg11 : memref<2048xi32, #tpu.memory_space<vmem>>) semaphore(%arg14 : memref<!tpu.dma_semaphore, #tpu.memory_space<semaphore_mem>>)
      %dma_wait3A = arith.constant 0 : i32
      %dma_wait3A_72 = arith.constant 0 : i32
      %dma_wait3A_73 = tpu.memref_slice %arg5[%dma_wait3A, %dma_wait3A_72] : memref<6432768x16xi32, #tpu.memory_space<hbm>> -> memref<6432768x16xi32, #tpu.memory_space<hbm>>
      tpu.wait_indirect_dma semaphore(%arg14 : memref<!tpu.dma_semaphore, #tpu.memory_space<semaphore_mem>>) src(%arg10 : memref<2048x16xi32, #tpu.memory_space<vmem>>) dst(%dma_wait3A_73 : memref<6432768x16xi32, #tpu.memory_space<hbm>>)
      %mul3A_74 = arith.constant 100512 : i32
      %mul3A_75 = arith.muli %add3A_12, %mul3A_74 : i32
      %scan3A_76 = arith.constant 0 : i32
      %scan3A_77 = arith.constant 0 : i32
      %scan3A_78 = arith.constant 2048 : i32
      %scan3A_79 = arith.addi %scan3A_77, %scan3A_78 : i32
      %scan3A_80 = arith.constant 1 : i32
      scf.for %scan3A_163 = %scan3A_77 to %scan3A_79 step %scan3A_80  : i32 {
        %mul3A_164 = arith.constant 16 : i32
        %mul3A_165 = arith.muli %scan3A_163, %mul3A_164 : i32
        %swap3A = arith.index_cast %mul3A_165 : i32 to index
        %swap3A_166 = tpu.vector_load %arg7[%swap3A] {strides = array<i32>} : memref<32768xi32, #tpu.memory_space<vmem>>, vector<16xi32>,
        tpu.vector_store %arg7[%swap3A], %broadcast_in_dim3A_1 {strides = array<i32>} : memref<32768xi32, #tpu.memory_space<vmem>>, vector<16xi32>,
      }
      %scan3A_81 = arith.constant 2048 : i32
      %scan3A_82 = arith.constant 0 : i32
      %scan3A_83 = arith.constant 0 : i32
      %scan3A_84 = arith.constant 48 : i32
      %scan3A_85 = arith.addi %scan3A_83, %scan3A_84 : i32
      %scan3A_86 = arith.constant 1 : i32
      scf.for %scan3A_163 = %scan3A_83 to %scan3A_85 step %scan3A_86  : i32 {
        %mul3A_164 = arith.constant 100000 : i32
        %mul3A_165 = arith.muli %add3A_12, %mul3A_164 : i32
        %mul3A_166 = arith.constant 2048 : i32
        %mul3A_167 = arith.muli %scan3A_163, %mul3A_166 : i32
        %add3A_168 = arith.addi %mul3A_165, %mul3A_167 : i32
        "tpu.region"() ({
          %run_scoped3A = tpu.sem_alloc : memref<!tpu.dma_semaphore, #tpu.memory_space<semaphore_mem>>
          %dma_start3A_175 = arith.constant 0 : i32
          %dma_start3A_176 = tpu.memref_slice %arg8[%dma_start3A_175] : memref<2048xi32, #tpu.memory_space<vmem>> -> memref<2048xi32, #tpu.memory_space<vmem>>
          %dma_start3A_177 = tpu.memref_slice %arg2[%add3A_168] : memref<6400000xi32, #tpu.memory_space<hbm>> -> memref<2048xi32, #tpu.memory_space<hbm>>
          %dma_start3A_178 = arith.constant 0 : i32
          %dma_start3A_179 = tpu.memref_slice %arg8[%dma_start3A_178] : memref<2048xi32, #tpu.memory_space<vmem>> -> memref<2048xi32, #tpu.memory_space<vmem>>
          %dma_start3A_180 = tpu.memref_slice %arg2[%add3A_168] : memref<6400000xi32, #tpu.memory_space<hbm>> -> memref<2048xi32, #tpu.memory_space<hbm>>
          tpu.enqueue_dma source(%dma_start3A_180 : memref<2048xi32, #tpu.memory_space<hbm>>) target(%dma_start3A_179 : memref<2048xi32, #tpu.memory_space<vmem>>) target_semaphore(%run_scoped3A : memref<!tpu.dma_semaphore, #tpu.memory_space<semaphore_mem>>)
          %dma_wait3A_181 = arith.constant 0 : i32
          %dma_wait3A_182 = tpu.memref_slice %arg8[%dma_wait3A_181] : memref<2048xi32, #tpu.memory_space<vmem>> -> memref<2048xi32, #tpu.memory_space<vmem>>
          %dma_wait3A_183 = tpu.memref_slice %arg2[%add3A_168] : memref<6400000xi32, #tpu.memory_space<hbm>> -> memref<2048xi32, #tpu.memory_space<hbm>>
          %dma_wait3A_184 = arith.constant 0 : i32
          %dma_wait3A_185 = tpu.memref_slice %arg8[%dma_wait3A_184] : memref<2048xi32, #tpu.memory_space<vmem>> -> memref<2048xi32, #tpu.memory_space<vmem>>
          %dma_wait3A_186 = tpu.memref_slice %arg2[%add3A_168] : memref<6400000xi32, #tpu.memory_space<hbm>> -> memref<2048xi32, #tpu.memory_space<hbm>>
          tpu.wait_dma2 semaphore(%run_scoped3A : memref<!tpu.dma_semaphore, #tpu.memory_space<semaphore_mem>>) src(%dma_wait3A_186 : memref<2048xi32, #tpu.memory_space<hbm>>) dst(%dma_wait3A_185 : memref<2048xi32, #tpu.memory_space<vmem>>)
          tpu.yield
        }) : () -> ()
        %scan3A_169 = arith.constant 0 : i32
        %scan3A_170 = arith.constant 0 : i32
        %scan3A_171 = arith.constant 128 : i32
        %scan3A_172 = arith.addi %scan3A_170, %scan3A_171 : i32
        %scan3A_173 = arith.constant 1 : i32
        scf.for %scan3A_175 = %scan3A_170 to %scan3A_172 step %scan3A_173  : i32 {
          %mul3A_176 = arith.constant 16 : i32
          %mul3A_177 = arith.muli %scan3A_175, %mul3A_176 : i32
          %get3A = arith.index_cast %mul3A_177 : i32 to index
          %get3A_178 = tpu.vector_load %arg8[%get3A] {strides = array<i32>} : memref<2048xi32, #tpu.memory_space<vmem>>, vector<16xi32>,
          %shift_right_logical3A = arith.constant 15 : i32
          %shift_right_logical3A_179 = vector.broadcast %shift_right_logical3A : i32 to vector<16xi32>
          %shift_right_logical3A_180 = arith.shrui %get3A_178, %shift_right_logical3A_179 : vector<16xi32>
          %broadcast_in_dim3A_181 = arith.constant true
          %broadcast_in_dim3A_182 = vector.broadcast %broadcast_in_dim3A_181 : i1 to vector<16xi1>
          %unique3A, %unique3A_183 = tpu.scan_count mask(%broadcast_in_dim3A_182 : vector<16xi1>) value(%shift_right_logical3A_180 : vector<16xi32>) : vector<16xi1>, vector<16xi32>
          tpu.vector_store_idx %arg7[%shift_right_logical3A_180], %unique3A_183 masked %unique3A {add = true} : memref<32768xi32, #tpu.memory_space<vmem>>[vector<16xi32>], vector<16xi32>, vector<16xi1>
        }
        %scan3A_174 = arith.constant 128 : i32
      }
      %scan3A_87 = arith.constant 48 : i32
      %mul3A_88 = arith.constant 100000 : i32
      %mul3A_89 = arith.muli %add3A_12, %mul3A_88 : i32
      %mul3A_90 = arith.constant 48 : i32
      %mul3A_91 = arith.constant 2048 : i32
      %mul3A_92 = arith.muli %mul3A_90, %mul3A_91 : i32
      %add3A_93 = arith.addi %mul3A_89, %mul3A_92 : i32
      "tpu.region"() ({
        %run_scoped3A = tpu.sem_alloc : memref<!tpu.dma_semaphore, #tpu.memory_space<semaphore_mem>>
        %dma_start3A_163 = arith.constant 0 : i32
        %dma_start3A_164 = tpu.memref_slice %arg8[%dma_start3A_163] : memref<2048xi32, #tpu.memory_space<vmem>> -> memref<1696xi32, #tpu.memory_space<vmem>>
        %dma_start3A_165 = tpu.memref_slice %arg2[%add3A_93] : memref<6400000xi32, #tpu.memory_space<hbm>> -> memref<1696xi32, #tpu.memory_space<hbm>>
        %dma_start3A_166 = arith.constant 0 : i32
        %dma_start3A_167 = tpu.memref_slice %arg8[%dma_start3A_166] : memref<2048xi32, #tpu.memory_space<vmem>> -> memref<1696xi32, #tpu.memory_space<vmem>>
        %dma_start3A_168 = tpu.memref_slice %arg2[%add3A_93] : memref<6400000xi32, #tpu.memory_space<hbm>> -> memref<1696xi32, #tpu.memory_space<hbm>>
        tpu.enqueue_dma source(%dma_start3A_168 : memref<1696xi32, #tpu.memory_space<hbm>>) target(%dma_start3A_167 : memref<1696xi32, #tpu.memory_space<vmem>>) target_semaphore(%run_scoped3A : memref<!tpu.dma_semaphore, #tpu.memory_space<semaphore_mem>>)
        %dma_wait3A_169 = arith.constant 0 : i32
        %dma_wait3A_170 = tpu.memref_slice %arg8[%dma_wait3A_169] : memref<2048xi32, #tpu.memory_space<vmem>> -> memref<1696xi32, #tpu.memory_space<vmem>>
        %dma_wait3A_171 = tpu.memref_slice %arg2[%add3A_93] : memref<6400000xi32, #tpu.memory_space<hbm>> -> memref<1696xi32, #tpu.memory_space<hbm>>
        %dma_wait3A_172 = arith.constant 0 : i32
        %dma_wait3A_173 = tpu.memref_slice %arg8[%dma_wait3A_172] : memref<2048xi32, #tpu.memory_space<vmem>> -> memref<1696xi32, #tpu.memory_space<vmem>>
        %dma_wait3A_174 = tpu.memref_slice %arg2[%add3A_93] : memref<6400000xi32, #tpu.memory_space<hbm>> -> memref<1696xi32, #tpu.memory_space<hbm>>
        tpu.wait_dma2 semaphore(%run_scoped3A : memref<!tpu.dma_semaphore, #tpu.memory_space<semaphore_mem>>) src(%dma_wait3A_174 : memref<1696xi32, #tpu.memory_space<hbm>>) dst(%dma_wait3A_173 : memref<1696xi32, #tpu.memory_space<vmem>>)
        tpu.yield
      }) : () -> ()
      %scan3A_94 = arith.constant 0 : i32
      %scan3A_95 = arith.constant 0 : i32
      %scan3A_96 = arith.constant 106 : i32
      %scan3A_97 = arith.addi %scan3A_95, %scan3A_96 : i32
      %scan3A_98 = arith.constant 1 : i32
      scf.for %scan3A_163 = %scan3A_95 to %scan3A_97 step %scan3A_98  : i32 {
        %mul3A_164 = arith.constant 16 : i32
        %mul3A_165 = arith.muli %scan3A_163, %mul3A_164 : i32
        %get3A = arith.index_cast %mul3A_165 : i32 to index
        %get3A_166 = tpu.vector_load %arg8[%get3A] {strides = array<i32>} : memref<2048xi32, #tpu.memory_space<vmem>>, vector<16xi32>,
        %shift_right_logical3A = arith.constant 15 : i32
        %shift_right_logical3A_167 = vector.broadcast %shift_right_logical3A : i32 to vector<16xi32>
        %shift_right_logical3A_168 = arith.shrui %get3A_166, %shift_right_logical3A_167 : vector<16xi32>
        %broadcast_in_dim3A_169 = arith.constant true
        %broadcast_in_dim3A_170 = vector.broadcast %broadcast_in_dim3A_169 : i1 to vector<16xi1>
        %unique3A, %unique3A_171 = tpu.scan_count mask(%broadcast_in_dim3A_170 : vector<16xi1>) value(%shift_right_logical3A_168 : vector<16xi32>) : vector<16xi1>, vector<16xi32>
        tpu.vector_store_idx %arg7[%shift_right_logical3A_168], %unique3A_171 masked %unique3A {add = true} : memref<32768xi32, #tpu.memory_space<vmem>>[vector<16xi32>], vector<16xi32>, vector<16xi1>
      }
      %scan3A_99 = arith.constant 106 : i32
      %scan3A_100 = arith.constant 0 : i32
      %scan3A_101 = arith.constant 0 : i32
      %scan3A_102 = arith.constant 2048 : i32
      %scan3A_103 = arith.addi %scan3A_101, %scan3A_102 : i32
      %scan3A_104 = arith.constant 1 : i32
      %scan3A_105 = scf.for %scan3A_163 = %scan3A_101 to %scan3A_103 step %scan3A_104 iter_args(%scan3A_164 = %scan3A_100) -> (i32)  : i32 {
        %mul3A_165 = arith.constant 16 : i32
        %mul3A_166 = arith.muli %scan3A_163, %mul3A_165 : i32
        %get3A = arith.index_cast %mul3A_166 : i32 to index
        %get3A_167 = tpu.vector_load %arg7[%get3A] {strides = array<i32>} : memref<32768xi32, #tpu.memory_space<vmem>>, vector<16xi32>,
        %broadcast_in_dim3A_168 = arith.constant true
        %broadcast_in_dim3A_169 = vector.broadcast %broadcast_in_dim3A_168 : i1 to vector<16xi1>
        %masked_cumsum3A = tpu.scan <sum>, %get3A_167 masked %broadcast_in_dim3A_169 : vector<16xi32>, vector<16xi1> -> vector<16xi32>
        %sub3A = arith.subi %masked_cumsum3A, %get3A_167 : vector<16xi32>
        %add3A_170 = vector.broadcast %scan3A_164 : i32 to vector<16xi32>
        %add3A_171 = arith.addi %sub3A, %add3A_170 : vector<16xi32>
        %mul3A_172 = arith.constant 16 : i32
        %mul3A_173 = arith.muli %scan3A_163, %mul3A_172 : i32
        %swap3A = arith.index_cast %mul3A_173 : i32 to index
        %swap3A_174 = tpu.vector_load %arg7[%swap3A] {strides = array<i32>} : memref<32768xi32, #tpu.memory_space<vmem>>, vector<16xi32>,
        tpu.vector_store %arg7[%swap3A], %add3A_171 {strides = array<i32>} : memref<32768xi32, #tpu.memory_space<vmem>>, vector<16xi32>,
        %reduce_max3A = arith.constant true
        %reduce_max3A_175 = vector.broadcast %reduce_max3A : i1 to vector<16xi1>
        %reduce_max3A_176 = arith.constant -2147483648 : i32
        %reduce_max3A_177 = vector.broadcast %reduce_max3A_176 : i32 to vector<16xi32>
        %reduce_max3A_178 = arith.xori %masked_cumsum3A, %reduce_max3A_177 : vector<16xi32>
        %reduce_max3A_179 = tpu.scan <max>, %reduce_max3A_178 masked %reduce_max3A_175 : vector<16xi32>, vector<16xi1> -> vector<16xi32>
        %reduce_max3A_180 = arith.xori %reduce_max3A_179, %reduce_max3A_177 : vector<16xi32>
        %reduce_max3A_181 = vector.extract %reduce_max3A_180[15] : i32 from vector<16xi32>
        %add3A_182 = arith.addi %scan3A_164, %reduce_max3A_181 : i32
        scf.yield %add3A_182 : i32
      }
      %scan3A_106 = arith.constant 2048 : i32
      %scan3A_107 = arith.constant 0 : i32
      %scan3A_108 = arith.constant 0 : i32
      %scan3A_109 = arith.constant 48 : i32
      %scan3A_110 = arith.addi %scan3A_108, %scan3A_109 : i32
      %scan3A_111 = arith.constant 1 : i32
      scf.for %scan3A_163 = %scan3A_108 to %scan3A_110 step %scan3A_111  : i32 {
        %mul3A_164 = arith.constant 2048 : i32
        %mul3A_165 = arith.muli %scan3A_163, %mul3A_164 : i32
        %add3A_166 = arith.addi %mul3A_75, %mul3A_165 : i32
        "tpu.region"() ({
          %run_scoped3A = tpu.sem_alloc : memref<!tpu.dma_semaphore, #tpu.memory_space<semaphore_mem>>
          %dma_start3A_179 = arith.constant 0 : i32
          %dma_start3A_180 = arith.constant 0 : i32
          %dma_start3A_181 = tpu.memref_slice %arg9[%dma_start3A_179, %dma_start3A_180] : memref<2048x16xi32, #tpu.memory_space<vmem>> -> memref<2048x16xi32, #tpu.memory_space<vmem>>
          %dma_start3A_182 = arith.constant 0 : i32
          %dma_start3A_183 = tpu.memref_slice %arg5[%add3A_166, %dma_start3A_182] : memref<6432768x16xi32, #tpu.memory_space<hbm>> -> memref<2048x16xi32, #tpu.memory_space<hbm>>
          %dma_start3A_184 = arith.constant 0 : i32
          %dma_start3A_185 = arith.constant 0 : i32
          %dma_start3A_186 = tpu.memref_slice %arg9[%dma_start3A_184, %dma_start3A_185] : memref<2048x16xi32, #tpu.memory_space<vmem>> -> memref<2048x16xi32, #tpu.memory_space<vmem>>
          %dma_start3A_187 = arith.constant 0 : i32
          %dma_start3A_188 = tpu.memref_slice %arg5[%add3A_166, %dma_start3A_187] : memref<6432768x16xi32, #tpu.memory_space<hbm>> -> memref<2048x16xi32, #tpu.memory_space<hbm>>
          tpu.enqueue_dma source(%dma_start3A_188 : memref<2048x16xi32, #tpu.memory_space<hbm>>) target(%dma_start3A_186 : memref<2048x16xi32, #tpu.memory_space<vmem>>) target_semaphore(%run_scoped3A : memref<!tpu.dma_semaphore, #tpu.memory_space<semaphore_mem>>)
          %dma_wait3A_189 = arith.constant 0 : i32
          %dma_wait3A_190 = arith.constant 0 : i32
          %dma_wait3A_191 = tpu.memref_slice %arg9[%dma_wait3A_189, %dma_wait3A_190] : memref<2048x16xi32, #tpu.memory_space<vmem>> -> memref<2048x16xi32, #tpu.memory_space<vmem>>
          %dma_wait3A_192 = arith.constant 0 : i32
          %dma_wait3A_193 = tpu.memref_slice %arg5[%add3A_166, %dma_wait3A_192] : memref<6432768x16xi32, #tpu.memory_space<hbm>> -> memref<2048x16xi32, #tpu.memory_space<hbm>>
          %dma_wait3A_194 = arith.constant 0 : i32
          %dma_wait3A_195 = arith.constant 0 : i32
          %dma_wait3A_196 = tpu.memref_slice %arg9[%dma_wait3A_194, %dma_wait3A_195] : memref<2048x16xi32, #tpu.memory_space<vmem>> -> memref<2048x16xi32, #tpu.memory_space<vmem>>
          %dma_wait3A_197 = arith.constant 0 : i32
          %dma_wait3A_198 = tpu.memref_slice %arg5[%add3A_166, %dma_wait3A_197] : memref<6432768x16xi32, #tpu.memory_space<hbm>> -> memref<2048x16xi32, #tpu.memory_space<hbm>>
          tpu.wait_dma2 semaphore(%run_scoped3A : memref<!tpu.dma_semaphore, #tpu.memory_space<semaphore_mem>>) src(%dma_wait3A_198 : memref<2048x16xi32, #tpu.memory_space<hbm>>) dst(%dma_wait3A_196 : memref<2048x16xi32, #tpu.memory_space<vmem>>)
          tpu.yield
        }) : () -> ()
        %scan3A_167 = arith.constant 0 : i32
        %scan3A_168 = arith.constant 0 : i32
        %scan3A_169 = arith.constant 128 : i32
        %scan3A_170 = arith.addi %scan3A_168, %scan3A_169 : i32
        %scan3A_171 = arith.constant 1 : i32
        scf.for %scan3A_179 = %scan3A_168 to %scan3A_170 step %scan3A_171  : i32 {
          %mul3A_180 = arith.constant 16 : i32
          %mul3A_181 = arith.muli %scan3A_179, %mul3A_180 : i32
          %add3A_182 = vector.broadcast %mul3A_181 : i32 to vector<16xi32>
          %add3A_183 = arith.addi %add3A_182, %iota3A : vector<16xi32>
          %gather3A = tpu.vector_load_idx %arg9[%add3A_183, %broadcast_in_dim3A_1] : memref<2048x16xi32, #tpu.memory_space<vmem>>[vector<16xi32>, vector<16xi32>], vector<16xi32>,
          %gather3A_184 = tpu.vector_load_idx %arg9[%add3A_183, %broadcast_in_dim3A_3] : memref<2048x16xi32, #tpu.memory_space<vmem>>[vector<16xi32>, vector<16xi32>], vector<16xi32>,
          %shift_right_logical3A = arith.constant 15 : i32
          %shift_right_logical3A_185 = vector.broadcast %shift_right_logical3A : i32 to vector<16xi32>
          %shift_right_logical3A_186 = arith.shrui %gather3A, %shift_right_logical3A_185 : vector<16xi32>
          %broadcast_in_dim3A_187 = arith.constant true
          %broadcast_in_dim3A_188 = vector.broadcast %broadcast_in_dim3A_187 : i1 to vector<16xi1>
          %unique3A, %unique3A_189 = tpu.scan_count mask(%broadcast_in_dim3A_188 : vector<16xi1>) value(%shift_right_logical3A_186 : vector<16xi32>) : vector<16xi1>, vector<16xi32>
          %gather3A_190 = tpu.vector_load_idx %arg7[%shift_right_logical3A_186] : memref<32768xi32, #tpu.memory_space<vmem>>[vector<16xi32>], vector<16xi32>,
          %add3A_191 = arith.addi %gather3A_190, %unique3A_189 : vector<16xi32>
          %sub3A = arith.constant 1 : i32
          %sub3A_192 = vector.broadcast %sub3A : i32 to vector<16xi32>
          %sub3A_193 = arith.subi %add3A_191, %sub3A_192 : vector<16xi32>
          %add3A_194 = vector.broadcast %mul3A_75 : i32 to vector<16xi32>
          %add3A_195 = arith.addi %sub3A_193, %add3A_194 : vector<16xi32>
          %jit3A = arith.constant 0 : i32
          %jit3A_196 = arith.constant 6432767 : i32
          %max3A = vector.broadcast %jit3A : i32 to vector<16xi32>
          %max3A_197 = arith.maxsi %max3A, %add3A_195 : vector<16xi32>
          %min3A = vector.broadcast %jit3A_196 : i32 to vector<16xi32>
          %min3A_198 = arith.minsi %min3A, %max3A_197 : vector<16xi32>
          %mul3A_199 = arith.constant 16 : i32
          %mul3A_200 = arith.muli %scan3A_179, %mul3A_199 : i32
          %swap3A = arith.index_cast %mul3A_200 : i32 to index
          %swap3A_201 = tpu.vector_load %arg11[%swap3A] {strides = array<i32>} : memref<2048xi32, #tpu.memory_space<vmem>>, vector<16xi32>,
          tpu.vector_store %arg11[%swap3A], %min3A_198 {strides = array<i32>} : memref<2048xi32, #tpu.memory_space<vmem>>, vector<16xi32>,
          tpu.vector_store_idx %arg10[%add3A_183, %broadcast_in_dim3A_1], %gather3A : memref<2048x16xi32, #tpu.memory_space<vmem>>[vector<16xi32>, vector<16xi32>], vector<16xi32>,
          tpu.vector_store_idx %arg10[%add3A_183, %broadcast_in_dim3A_3], %gather3A_184 : memref<2048x16xi32, #tpu.memory_space<vmem>>[vector<16xi32>, vector<16xi32>], vector<16xi32>,
          tpu.vector_store_idx %arg7[%shift_right_logical3A_186], %unique3A_189 masked %unique3A {add = true} : memref<32768xi32, #tpu.memory_space<vmem>>[vector<16xi32>], vector<16xi32>, vector<16xi1>
        }
        %scan3A_172 = arith.constant 128 : i32
        %dma_start3A_173 = arith.constant 0 : i32
        %dma_start3A_174 = arith.constant 0 : i32
        %dma_start3A_175 = tpu.memref_slice %arg6[%dma_start3A_173, %dma_start3A_174] : memref<6432768x16xi32, #tpu.memory_space<hbm>> -> memref<6432768x16xi32, #tpu.memory_space<hbm>>
        tpu.enqueue_indirect_dma source(%arg10 : memref<2048x16xi32, #tpu.memory_space<vmem>>) target(%dma_start3A_175 : memref<6432768x16xi32, #tpu.memory_space<hbm>>) offsets(%arg11 : memref<2048xi32, #tpu.memory_space<vmem>>) semaphore(%arg14 : memref<!tpu.dma_semaphore, #tpu.memory_space<semaphore_mem>>)
        %dma_wait3A_176 = arith.constant 0 : i32
        %dma_wait3A_177 = arith.constant 0 : i32
        %dma_wait3A_178 = tpu.memref_slice %arg6[%dma_wait3A_176, %dma_wait3A_177] : memref<6432768x16xi32, #tpu.memory_space<hbm>> -> memref<6432768x16xi32, #tpu.memory_space<hbm>>
        tpu.wait_indirect_dma semaphore(%arg14 : memref<!tpu.dma_semaphore, #tpu.memory_space<semaphore_mem>>) src(%arg10 : memref<2048x16xi32, #tpu.memory_space<vmem>>) dst(%dma_wait3A_178 : memref<6432768x16xi32, #tpu.memory_space<hbm>>)
      }
      %scan3A_112 = arith.constant 48 : i32
      %mul3A_113 = arith.constant 48 : i32
      %mul3A_114 = arith.constant 2048 : i32
      %mul3A_115 = arith.muli %mul3A_113, %mul3A_114 : i32
      %add3A_116 = arith.addi %mul3A_75, %mul3A_115 : i32
      "tpu.region"() ({
        %run_scoped3A = tpu.sem_alloc : memref<!tpu.dma_semaphore, #tpu.memory_space<semaphore_mem>>
        %dma_start3A_163 = arith.constant 0 : i32
        %dma_start3A_164 = arith.constant 0 : i32
        %dma_start3A_165 = tpu.memref_slice %arg9[%dma_start3A_163, %dma_start3A_164] : memref<2048x16xi32, #tpu.memory_space<vmem>> -> memref<1696x16xi32, #tpu.memory_space<vmem>>
        %dma_start3A_166 = arith.constant 0 : i32
        %dma_start3A_167 = tpu.memref_slice %arg5[%add3A_116, %dma_start3A_166] : memref<6432768x16xi32, #tpu.memory_space<hbm>> -> memref<1696x16xi32, #tpu.memory_space<hbm>>
        %dma_start3A_168 = arith.constant 0 : i32
        %dma_start3A_169 = arith.constant 0 : i32
        %dma_start3A_170 = tpu.memref_slice %arg9[%dma_start3A_168, %dma_start3A_169] : memref<2048x16xi32, #tpu.memory_space<vmem>> -> memref<1696x16xi32, #tpu.memory_space<vmem>>
        %dma_start3A_171 = arith.constant 0 : i32
        %dma_start3A_172 = tpu.memref_slice %arg5[%add3A_116, %dma_start3A_171] : memref<6432768x16xi32, #tpu.memory_space<hbm>> -> memref<1696x16xi32, #tpu.memory_space<hbm>>
        tpu.enqueue_dma source(%dma_start3A_172 : memref<1696x16xi32, #tpu.memory_space<hbm>>) target(%dma_start3A_170 : memref<1696x16xi32, #tpu.memory_space<vmem>>) target_semaphore(%run_scoped3A : memref<!tpu.dma_semaphore, #tpu.memory_space<semaphore_mem>>)
        %dma_wait3A_173 = arith.constant 0 : i32
        %dma_wait3A_174 = arith.constant 0 : i32
        %dma_wait3A_175 = tpu.memref_slice %arg9[%dma_wait3A_173, %dma_wait3A_174] : memref<2048x16xi32, #tpu.memory_space<vmem>> -> memref<1696x16xi32, #tpu.memory_space<vmem>>
        %dma_wait3A_176 = arith.constant 0 : i32
        %dma_wait3A_177 = tpu.memref_slice %arg5[%add3A_116, %dma_wait3A_176] : memref<6432768x16xi32, #tpu.memory_space<hbm>> -> memref<1696x16xi32, #tpu.memory_space<hbm>>
        %dma_wait3A_178 = arith.constant 0 : i32
        %dma_wait3A_179 = arith.constant 0 : i32
        %dma_wait3A_180 = tpu.memref_slice %arg9[%dma_wait3A_178, %dma_wait3A_179] : memref<2048x16xi32, #tpu.memory_space<vmem>> -> memref<1696x16xi32, #tpu.memory_space<vmem>>
        %dma_wait3A_181 = arith.constant 0 : i32
        %dma_wait3A_182 = tpu.memref_slice %arg5[%add3A_116, %dma_wait3A_181] : memref<6432768x16xi32, #tpu.memory_space<hbm>> -> memref<1696x16xi32, #tpu.memory_space<hbm>>
        tpu.wait_dma2 semaphore(%run_scoped3A : memref<!tpu.dma_semaphore, #tpu.memory_space<semaphore_mem>>) src(%dma_wait3A_182 : memref<1696x16xi32, #tpu.memory_space<hbm>>) dst(%dma_wait3A_180 : memref<1696x16xi32, #tpu.memory_space<vmem>>)
        tpu.yield
      }) : () -> ()
      %scan3A_117 = arith.constant 0 : i32
      %scan3A_118 = arith.constant 0 : i32
      %scan3A_119 = arith.constant 106 : i32
      %scan3A_120 = arith.addi %scan3A_118, %scan3A_119 : i32
      %scan3A_121 = arith.constant 1 : i32
      scf.for %scan3A_163 = %scan3A_118 to %scan3A_120 step %scan3A_121  : i32 {
        %mul3A_164 = arith.constant 16 : i32
        %mul3A_165 = arith.muli %scan3A_163, %mul3A_164 : i32
        %add3A_166 = vector.broadcast %mul3A_165 : i32 to vector<16xi32>
        %add3A_167 = arith.addi %add3A_166, %iota3A : vector<16xi32>
        %gather3A = tpu.vector_load_idx %arg9[%add3A_167, %broadcast_in_dim3A_1] : memref<2048x16xi32, #tpu.memory_space<vmem>>[vector<16xi32>, vector<16xi32>], vector<16xi32>,
        %gather3A_168 = tpu.vector_load_idx %arg9[%add3A_167, %broadcast_in_dim3A_3] : memref<2048x16xi32, #tpu.memory_space<vmem>>[vector<16xi32>, vector<16xi32>], vector<16xi32>,
        %shift_right_logical3A = arith.constant 15 : i32
        %shift_right_logical3A_169 = vector.broadcast %shift_right_logical3A : i32 to vector<16xi32>
        %shift_right_logical3A_170 = arith.shrui %gather3A, %shift_right_logical3A_169 : vector<16xi32>
        %broadcast_in_dim3A_171 = arith.constant true
        %broadcast_in_dim3A_172 = vector.broadcast %broadcast_in_dim3A_171 : i1 to vector<16xi1>
        %unique3A, %unique3A_173 = tpu.scan_count mask(%broadcast_in_dim3A_172 : vector<16xi1>) value(%shift_right_logical3A_170 : vector<16xi32>) : vector<16xi1>, vector<16xi32>
        %gather3A_174 = tpu.vector_load_idx %arg7[%shift_right_logical3A_170] : memref<32768xi32, #tpu.memory_space<vmem>>[vector<16xi32>], vector<16xi32>,
        %add3A_175 = arith.addi %gather3A_174, %unique3A_173 : vector<16xi32>
        %sub3A = arith.constant 1 : i32
        %sub3A_176 = vector.broadcast %sub3A : i32 to vector<16xi32>
        %sub3A_177 = arith.subi %add3A_175, %sub3A_176 : vector<16xi32>
        %add3A_178 = vector.broadcast %mul3A_75 : i32 to vector<16xi32>
        %add3A_179 = arith.addi %sub3A_177, %add3A_178 : vector<16xi32>
        %jit3A = arith.constant 0 : i32
        %jit3A_180 = arith.constant 6432767 : i32
        %max3A = vector.broadcast %jit3A : i32 to vector<16xi32>
        %max3A_181 = arith.maxsi %max3A, %add3A_179 : vector<16xi32>
        %min3A = vector.broadcast %jit3A_180 : i32 to vector<16xi32>
        %min3A_182 = arith.minsi %min3A, %max3A_181 : vector<16xi32>
        %mul3A_183 = arith.constant 16 : i32
        %mul3A_184 = arith.muli %scan3A_163, %mul3A_183 : i32
        %swap3A = arith.index_cast %mul3A_184 : i32 to index
        %swap3A_185 = tpu.vector_load %arg11[%swap3A] {strides = array<i32>} : memref<2048xi32, #tpu.memory_space<vmem>>, vector<16xi32>,
        tpu.vector_store %arg11[%swap3A], %min3A_182 {strides = array<i32>} : memref<2048xi32, #tpu.memory_space<vmem>>, vector<16xi32>,
        tpu.vector_store_idx %arg10[%add3A_167, %broadcast_in_dim3A_1], %gather3A : memref<2048x16xi32, #tpu.memory_space<vmem>>[vector<16xi32>, vector<16xi32>], vector<16xi32>,
        tpu.vector_store_idx %arg10[%add3A_167, %broadcast_in_dim3A_3], %gather3A_168 : memref<2048x16xi32, #tpu.memory_space<vmem>>[vector<16xi32>, vector<16xi32>], vector<16xi32>,
        tpu.vector_store_idx %arg7[%shift_right_logical3A_170], %unique3A_173 masked %unique3A {add = true} : memref<32768xi32, #tpu.memory_space<vmem>>[vector<16xi32>], vector<16xi32>, vector<16xi1>
      }
      %scan3A_122 = arith.constant 106 : i32
      %scan3A_123 = arith.constant 0 : i32
      %scan3A_124 = arith.constant 106 : i32
      %scan3A_125 = arith.constant 22 : i32
      %scan3A_126 = arith.addi %scan3A_124, %scan3A_125 : i32
      %scan3A_127 = arith.constant 1 : i32
      scf.for %scan3A_163 = %scan3A_124 to %scan3A_126 step %scan3A_127  : i32 {
        %mul3A_164 = arith.constant 16 : i32
        %mul3A_165 = arith.muli %scan3A_163, %mul3A_164 : i32
        %add3A_166 = vector.broadcast %mul3A_165 : i32 to vector<16xi32>
        %add3A_167 = arith.addi %add3A_166, %iota3A : vector<16xi32>
        %add3A_168 = arith.constant 100000 : i32
        %add3A_169 = arith.addi %mul3A_75, %add3A_168 : i32
        %sub3A = arith.constant 1696 : i32
        %sub3A_170 = vector.broadcast %sub3A : i32 to vector<16xi32>
        %sub3A_171 = arith.subi %add3A_167, %sub3A_170 : vector<16xi32>
        %add3A_172 = vector.broadcast %add3A_169 : i32 to vector<16xi32>
        %add3A_173 = arith.addi %add3A_172, %sub3A_171 : vector<16xi32>
        %mul3A_174 = arith.constant 16 : i32
        %mul3A_175 = arith.muli %scan3A_163, %mul3A_174 : i32
        %swap3A = arith.index_cast %mul3A_175 : i32 to index
        %swap3A_176 = tpu.vector_load %arg11[%swap3A] {strides = array<i32>} : memref<2048xi32, #tpu.memory_space<vmem>>, vector<16xi32>,
        tpu.vector_store %arg11[%swap3A], %add3A_173 {strides = array<i32>} : memref<2048xi32, #tpu.memory_space<vmem>>, vector<16xi32>,
      }
      %scan3A_128 = arith.constant 22 : i32
      %dma_start3A_129 = arith.constant 0 : i32
      %dma_start3A_130 = arith.constant 0 : i32
      %dma_start3A_131 = tpu.memref_slice %arg6[%dma_start3A_129, %dma_start3A_130] : memref<6432768x16xi32, #tpu.memory_space<hbm>> -> memref<6432768x16xi32, #tpu.memory_space<hbm>>
      tpu.enqueue_indirect_dma source(%arg10 : memref<2048x16xi32, #tpu.memory_space<vmem>>) target(%dma_start3A_131 : memref<6432768x16xi32, #tpu.memory_space<hbm>>) offsets(%arg11 : memref<2048xi32, #tpu.memory_space<vmem>>) semaphore(%arg14 : memref<!tpu.dma_semaphore, #tpu.memory_space<semaphore_mem>>)
      %dma_wait3A_132 = arith.constant 0 : i32
      %dma_wait3A_133 = arith.constant 0 : i32
      %dma_wait3A_134 = tpu.memref_slice %arg6[%dma_wait3A_132, %dma_wait3A_133] : memref<6432768x16xi32, #tpu.memory_space<hbm>> -> memref<6432768x16xi32, #tpu.memory_space<hbm>>
      tpu.wait_indirect_dma semaphore(%arg14 : memref<!tpu.dma_semaphore, #tpu.memory_space<semaphore_mem>>) src(%arg10 : memref<2048x16xi32, #tpu.memory_space<vmem>>) dst(%dma_wait3A_134 : memref<6432768x16xi32, #tpu.memory_space<hbm>>)
      %mul3A_135 = arith.constant 100512 : i32
      %mul3A_136 = arith.muli %add3A_12, %mul3A_135 : i32
      %mul3A_137 = arith.constant 100000 : i32
      %mul3A_138 = arith.muli %add3A_12, %mul3A_137 : i32
      %scan3A_139 = arith.constant 0 : i32
      %scan3A_140 = arith.constant 0 : i32
      %scan3A_141 = arith.constant 48 : i32
      %scan3A_142 = arith.addi %scan3A_140, %scan3A_141 : i32
      %scan3A_143 = arith.constant 1 : i32
      scf.for %scan3A_163 = %scan3A_140 to %scan3A_142 step %scan3A_143  : i32 {
        %mul3A_164 = arith.constant 2048 : i32
        %mul3A_165 = arith.muli %scan3A_163, %mul3A_164 : i32
        %add3A_166 = arith.addi %mul3A_136, %mul3A_165 : i32
        "tpu.region"() ({
          %run_scoped3A = tpu.sem_alloc : memref<!tpu.dma_semaphore, #tpu.memory_space<semaphore_mem>>
          %dma_start3A_179 = arith.constant 0 : i32
          %dma_start3A_180 = arith.constant 0 : i32
          %dma_start3A_181 = tpu.memref_slice %arg9[%dma_start3A_179, %dma_start3A_180] : memref<2048x16xi32, #tpu.memory_space<vmem>> -> memref<2048x16xi32, #tpu.memory_space<vmem>>
          %dma_start3A_182 = arith.constant 0 : i32
          %dma_start3A_183 = tpu.memref_slice %arg6[%add3A_166, %dma_start3A_182] : memref<6432768x16xi32, #tpu.memory_space<hbm>> -> memref<2048x16xi32, #tpu.memory_space<hbm>>
          %dma_start3A_184 = arith.constant 0 : i32
          %dma_start3A_185 = arith.constant 0 : i32
          %dma_start3A_186 = tpu.memref_slice %arg9[%dma_start3A_184, %dma_start3A_185] : memref<2048x16xi32, #tpu.memory_space<vmem>> -> memref<2048x16xi32, #tpu.memory_space<vmem>>
          %dma_start3A_187 = arith.constant 0 : i32
          %dma_start3A_188 = tpu.memref_slice %arg6[%add3A_166, %dma_start3A_187] : memref<6432768x16xi32, #tpu.memory_space<hbm>> -> memref<2048x16xi32, #tpu.memory_space<hbm>>
          tpu.enqueue_dma source(%dma_start3A_188 : memref<2048x16xi32, #tpu.memory_space<hbm>>) target(%dma_start3A_186 : memref<2048x16xi32, #tpu.memory_space<vmem>>) target_semaphore(%run_scoped3A : memref<!tpu.dma_semaphore, #tpu.memory_space<semaphore_mem>>)
          %dma_wait3A_189 = arith.constant 0 : i32
          %dma_wait3A_190 = arith.constant 0 : i32
          %dma_wait3A_191 = tpu.memref_slice %arg9[%dma_wait3A_189, %dma_wait3A_190] : memref<2048x16xi32, #tpu.memory_space<vmem>> -> memref<2048x16xi32, #tpu.memory_space<vmem>>
          %dma_wait3A_192 = arith.constant 0 : i32
          %dma_wait3A_193 = tpu.memref_slice %arg6[%add3A_166, %dma_wait3A_192] : memref<6432768x16xi32, #tpu.memory_space<hbm>> -> memref<2048x16xi32, #tpu.memory_space<hbm>>
          %dma_wait3A_194 = arith.constant 0 : i32
          %dma_wait3A_195 = arith.constant 0 : i32
          %dma_wait3A_196 = tpu.memref_slice %arg9[%dma_wait3A_194, %dma_wait3A_195] : memref<2048x16xi32, #tpu.memory_space<vmem>> -> memref<2048x16xi32, #tpu.memory_space<vmem>>
          %dma_wait3A_197 = arith.constant 0 : i32
          %dma_wait3A_198 = tpu.memref_slice %arg6[%add3A_166, %dma_wait3A_197] : memref<6432768x16xi32, #tpu.memory_space<hbm>> -> memref<2048x16xi32, #tpu.memory_space<hbm>>
          tpu.wait_dma2 semaphore(%run_scoped3A : memref<!tpu.dma_semaphore, #tpu.memory_space<semaphore_mem>>) src(%dma_wait3A_198 : memref<2048x16xi32, #tpu.memory_space<hbm>>) dst(%dma_wait3A_196 : memref<2048x16xi32, #tpu.memory_space<vmem>>)
          tpu.yield
        }) : () -> ()
        %scan3A_167 = arith.constant 0 : i32
        %scan3A_168 = arith.constant 0 : i32
        %scan3A_169 = arith.constant 128 : i32
        %scan3A_170 = arith.addi %scan3A_168, %scan3A_169 : i32
        %scan3A_171 = arith.constant 1 : i32
        scf.for %scan3A_179 = %scan3A_168 to %scan3A_170 step %scan3A_171  : i32 {
          %mul3A_180 = arith.constant 16 : i32
          %mul3A_181 = arith.muli %scan3A_179, %mul3A_180 : i32
          %add3A_182 = vector.broadcast %mul3A_181 : i32 to vector<16xi32>
          %add3A_183 = arith.addi %add3A_182, %iota3A : vector<16xi32>
          %gather3A = tpu.vector_load_idx %arg9[%add3A_183, %broadcast_in_dim3A_1] : memref<2048x16xi32, #tpu.memory_space<vmem>>[vector<16xi32>, vector<16xi32>], vector<16xi32>,
          %gather3A_184 = tpu.vector_load_idx %arg9[%add3A_183, %broadcast_in_dim3A_3] : memref<2048x16xi32, #tpu.memory_space<vmem>>[vector<16xi32>, vector<16xi32>], vector<16xi32>,
          %mul3A_185 = arith.constant 16 : i32
          %mul3A_186 = arith.muli %scan3A_179, %mul3A_185 : i32
          %swap3A = arith.index_cast %mul3A_186 : i32 to index
          %swap3A_187 = tpu.vector_load %arg12[%swap3A] {strides = array<i32>} : memref<2048xi32, #tpu.memory_space<vmem>>, vector<16xi32>,
          tpu.vector_store %arg12[%swap3A], %gather3A {strides = array<i32>} : memref<2048xi32, #tpu.memory_space<vmem>>, vector<16xi32>,
          %mul3A_188 = arith.constant 16 : i32
          %mul3A_189 = arith.muli %scan3A_179, %mul3A_188 : i32
          %swap3A_190 = arith.index_cast %mul3A_189 : i32 to index
          %swap3A_191 = tpu.vector_load %arg13[%swap3A_190] {strides = array<i32>} : memref<2048xi32, #tpu.memory_space<vmem>>, vector<16xi32>,
          tpu.vector_store %arg13[%swap3A_190], %gather3A_184 {strides = array<i32>} : memref<2048xi32, #tpu.memory_space<vmem>>, vector<16xi32>,
        }
        %scan3A_172 = arith.constant 128 : i32
        %mul3A_173 = arith.constant 2048 : i32
        %mul3A_174 = arith.muli %scan3A_163, %mul3A_173 : i32
        %add3A_175 = arith.addi %mul3A_138, %mul3A_174 : i32
        "tpu.region"() ({
          %run_scoped3A = tpu.sem_alloc : memref<!tpu.dma_semaphore, #tpu.memory_space<semaphore_mem>>
          %dma_start3A_179 = arith.constant 0 : i32
          %dma_start3A_180 = tpu.memref_slice %arg12[%dma_start3A_179] : memref<2048xi32, #tpu.memory_space<vmem>> -> memref<2048xi32, #tpu.memory_space<vmem>>
          %dma_start3A_181 = tpu.memref_slice %arg3[%add3A_175] : memref<6400000xi32, #tpu.memory_space<hbm>> -> memref<2048xi32, #tpu.memory_space<hbm>>
          %dma_start3A_182 = tpu.memref_slice %arg3[%add3A_175] : memref<6400000xi32, #tpu.memory_space<hbm>> -> memref<2048xi32, #tpu.memory_space<hbm>>
          %dma_start3A_183 = arith.constant 0 : i32
          %dma_start3A_184 = tpu.memref_slice %arg12[%dma_start3A_183] : memref<2048xi32, #tpu.memory_space<vmem>> -> memref<2048xi32, #tpu.memory_space<vmem>>
          tpu.enqueue_dma source(%dma_start3A_184 : memref<2048xi32, #tpu.memory_space<vmem>>) target(%dma_start3A_182 : memref<2048xi32, #tpu.memory_space<hbm>>) target_semaphore(%run_scoped3A : memref<!tpu.dma_semaphore, #tpu.memory_space<semaphore_mem>>)
          %dma_wait3A_185 = arith.constant 0 : i32
          %dma_wait3A_186 = tpu.memref_slice %arg12[%dma_wait3A_185] : memref<2048xi32, #tpu.memory_space<vmem>> -> memref<2048xi32, #tpu.memory_space<vmem>>
          %dma_wait3A_187 = tpu.memref_slice %arg3[%add3A_175] : memref<6400000xi32, #tpu.memory_space<hbm>> -> memref<2048xi32, #tpu.memory_space<hbm>>
          %dma_wait3A_188 = tpu.memref_slice %arg3[%add3A_175] : memref<6400000xi32, #tpu.memory_space<hbm>> -> memref<2048xi32, #tpu.memory_space<hbm>>
          %dma_wait3A_189 = arith.constant 0 : i32
          %dma_wait3A_190 = tpu.memref_slice %arg12[%dma_wait3A_189] : memref<2048xi32, #tpu.memory_space<vmem>> -> memref<2048xi32, #tpu.memory_space<vmem>>
          tpu.wait_dma2 semaphore(%run_scoped3A : memref<!tpu.dma_semaphore, #tpu.memory_space<semaphore_mem>>) src(%dma_wait3A_190 : memref<2048xi32, #tpu.memory_space<vmem>>) dst(%dma_wait3A_188 : memref<2048xi32, #tpu.memory_space<hbm>>)
          tpu.yield
        }) : () -> ()
        %mul3A_176 = arith.constant 2048 : i32
        %mul3A_177 = arith.muli %scan3A_163, %mul3A_176 : i32
        %add3A_178 = arith.addi %mul3A_138, %mul3A_177 : i32
        "tpu.region"() ({
          %run_scoped3A = tpu.sem_alloc : memref<!tpu.dma_semaphore, #tpu.memory_space<semaphore_mem>>
          %dma_start3A_179 = arith.constant 0 : i32
          %dma_start3A_180 = tpu.memref_slice %arg13[%dma_start3A_179] : memref<2048xi32, #tpu.memory_space<vmem>> -> memref<2048xi32, #tpu.memory_space<vmem>>
          %dma_start3A_181 = tpu.memref_slice %arg4[%add3A_178] : memref<6400000xi32, #tpu.memory_space<hbm>> -> memref<2048xi32, #tpu.memory_space<hbm>>
          %dma_start3A_182 = tpu.memref_slice %arg4[%add3A_178] : memref<6400000xi32, #tpu.memory_space<hbm>> -> memref<2048xi32, #tpu.memory_space<hbm>>
          %dma_start3A_183 = arith.constant 0 : i32
          %dma_start3A_184 = tpu.memref_slice %arg13[%dma_start3A_183] : memref<2048xi32, #tpu.memory_space<vmem>> -> memref<2048xi32, #tpu.memory_space<vmem>>
          tpu.enqueue_dma source(%dma_start3A_184 : memref<2048xi32, #tpu.memory_space<vmem>>) target(%dma_start3A_182 : memref<2048xi32, #tpu.memory_space<hbm>>) target_semaphore(%run_scoped3A : memref<!tpu.dma_semaphore, #tpu.memory_space<semaphore_mem>>)
          %dma_wait3A_185 = arith.constant 0 : i32
          %dma_wait3A_186 = tpu.memref_slice %arg13[%dma_wait3A_185] : memref<2048xi32, #tpu.memory_space<vmem>> -> memref<2048xi32, #tpu.memory_space<vmem>>
          %dma_wait3A_187 = tpu.memref_slice %arg4[%add3A_178] : memref<6400000xi32, #tpu.memory_space<hbm>> -> memref<2048xi32, #tpu.memory_space<hbm>>
          %dma_wait3A_188 = tpu.memref_slice %arg4[%add3A_178] : memref<6400000xi32, #tpu.memory_space<hbm>> -> memref<2048xi32, #tpu.memory_space<hbm>>
          %dma_wait3A_189 = arith.constant 0 : i32
          %dma_wait3A_190 = tpu.memref_slice %arg13[%dma_wait3A_189] : memref<2048xi32, #tpu.memory_space<vmem>> -> memref<2048xi32, #tpu.memory_space<vmem>>
          tpu.wait_dma2 semaphore(%run_scoped3A : memref<!tpu.dma_semaphore, #tpu.memory_space<semaphore_mem>>) src(%dma_wait3A_190 : memref<2048xi32, #tpu.memory_space<vmem>>) dst(%dma_wait3A_188 : memref<2048xi32, #tpu.memory_space<hbm>>)
          tpu.yield
        }) : () -> ()
      }
      %scan3A_144 = arith.constant 48 : i32
      %mul3A_145 = arith.constant 48 : i32
      %mul3A_146 = arith.constant 2048 : i32
      %mul3A_147 = arith.muli %mul3A_145, %mul3A_146 : i32
      %add3A_148 = arith.addi %mul3A_136, %mul3A_147 : i32
      "tpu.region"() ({
        %run_scoped3A = tpu.sem_alloc : memref<!tpu.dma_semaphore, #tpu.memory_space<semaphore_mem>>
        %dma_start3A_163 = arith.constant 0 : i32
        %dma_start3A_164 = arith.constant 0 : i32
        %dma_start3A_165 = tpu.memref_slice %arg9[%dma_start3A_163, %dma_start3A_164] : memref<2048x16xi32, #tpu.memory_space<vmem>> -> memref<1696x16xi32, #tpu.memory_space<vmem>>
        %dma_start3A_166 = arith.constant 0 : i32
        %dma_start3A_167 = tpu.memref_slice %arg6[%add3A_148, %dma_start3A_166] : memref<6432768x16xi32, #tpu.memory_space<hbm>> -> memref<1696x16xi32, #tpu.memory_space<hbm>>
        %dma_start3A_168 = arith.constant 0 : i32
        %dma_start3A_169 = arith.constant 0 : i32
        %dma_start3A_170 = tpu.memref_slice %arg9[%dma_start3A_168, %dma_start3A_169] : memref<2048x16xi32, #tpu.memory_space<vmem>> -> memref<1696x16xi32, #tpu.memory_space<vmem>>
        %dma_start3A_171 = arith.constant 0 : i32
        %dma_start3A_172 = tpu.memref_slice %arg6[%add3A_148, %dma_start3A_171] : memref<6432768x16xi32, #tpu.memory_space<hbm>> -> memref<1696x16xi32, #tpu.memory_space<hbm>>
        tpu.enqueue_dma source(%dma_start3A_172 : memref<1696x16xi32, #tpu.memory_space<hbm>>) target(%dma_start3A_170 : memref<1696x16xi32, #tpu.memory_space<vmem>>) target_semaphore(%run_scoped3A : memref<!tpu.dma_semaphore, #tpu.memory_space<semaphore_mem>>)
        %dma_wait3A_173 = arith.constant 0 : i32
        %dma_wait3A_174 = arith.constant 0 : i32
        %dma_wait3A_175 = tpu.memref_slice %arg9[%dma_wait3A_173, %dma_wait3A_174] : memref<2048x16xi32, #tpu.memory_space<vmem>> -> memref<1696x16xi32, #tpu.memory_space<vmem>>
        %dma_wait3A_176 = arith.constant 0 : i32
        %dma_wait3A_177 = tpu.memref_slice %arg6[%add3A_148, %dma_wait3A_176] : memref<6432768x16xi32, #tpu.memory_space<hbm>> -> memref<1696x16xi32, #tpu.memory_space<hbm>>
        %dma_wait3A_178 = arith.constant 0 : i32
        %dma_wait3A_179 = arith.constant 0 : i32
        %dma_wait3A_180 = tpu.memref_slice %arg9[%dma_wait3A_178, %dma_wait3A_179] : memref<2048x16xi32, #tpu.memory_space<vmem>> -> memref<1696x16xi32, #tpu.memory_space<vmem>>
        %dma_wait3A_181 = arith.constant 0 : i32
        %dma_wait3A_182 = tpu.memref_slice %arg6[%add3A_148, %dma_wait3A_181] : memref<6432768x16xi32, #tpu.memory_space<hbm>> -> memref<1696x16xi32, #tpu.memory_space<hbm>>
        tpu.wait_dma2 semaphore(%run_scoped3A : memref<!tpu.dma_semaphore, #tpu.memory_space<semaphore_mem>>) src(%dma_wait3A_182 : memref<1696x16xi32, #tpu.memory_space<hbm>>) dst(%dma_wait3A_180 : memref<1696x16xi32, #tpu.memory_space<vmem>>)
        tpu.yield
      }) : () -> ()
      %scan3A_149 = arith.constant 0 : i32
      %scan3A_150 = arith.constant 0 : i32
      %scan3A_151 = arith.constant 106 : i32
      %scan3A_152 = arith.addi %scan3A_150, %scan3A_151 : i32
      %scan3A_153 = arith.constant 1 : i32
      scf.for %scan3A_163 = %scan3A_150 to %scan3A_152 step %scan3A_153  : i32 {
        %mul3A_164 = arith.constant 16 : i32
        %mul3A_165 = arith.muli %scan3A_163, %mul3A_164 : i32
        %add3A_166 = vector.broadcast %mul3A_165 : i32 to vector<16xi32>
        %add3A_167 = arith.addi %add3A_166, %iota3A : vector<16xi32>
        %gather3A = tpu.vector_load_idx %arg9[%add3A_167, %broadcast_in_dim3A_1] : memref<2048x16xi32, #tpu.memory_space<vmem>>[vector<16xi32>, vector<16xi32>], vector<16xi32>,
        %gather3A_168 = tpu.vector_load_idx %arg9[%add3A_167, %broadcast_in_dim3A_3] : memref<2048x16xi32, #tpu.memory_space<vmem>>[vector<16xi32>, vector<16xi32>], vector<16xi32>,
        %mul3A_169 = arith.constant 16 : i32
        %mul3A_170 = arith.muli %scan3A_163, %mul3A_169 : i32
        %swap3A = arith.index_cast %mul3A_170 : i32 to index
        %swap3A_171 = tpu.vector_load %arg12[%swap3A] {strides = array<i32>} : memref<2048xi32, #tpu.memory_space<vmem>>, vector<16xi32>,
        tpu.vector_store %arg12[%swap3A], %gather3A {strides = array<i32>} : memref<2048xi32, #tpu.memory_space<vmem>>, vector<16xi32>,
        %mul3A_172 = arith.constant 16 : i32
        %mul3A_173 = arith.muli %scan3A_163, %mul3A_172 : i32
        %swap3A_174 = arith.index_cast %mul3A_173 : i32 to index
        %swap3A_175 = tpu.vector_load %arg13[%swap3A_174] {strides = array<i32>} : memref<2048xi32, #tpu.memory_space<vmem>>, vector<16xi32>,
        tpu.vector_store %arg13[%swap3A_174], %gather3A_168 {strides = array<i32>} : memref<2048xi32, #tpu.memory_space<vmem>>, vector<16xi32>,
      }
      %scan3A_154 = arith.constant 106 : i32
      %mul3A_155 = arith.constant 48 : i32
      %mul3A_156 = arith.constant 2048 : i32
      %mul3A_157 = arith.muli %mul3A_155, %mul3A_156 : i32
      %add3A_158 = arith.addi %mul3A_138, %mul3A_157 : i32
      "tpu.region"() ({
        %run_scoped3A = tpu.sem_alloc : memref<!tpu.dma_semaphore, #tpu.memory_space<semaphore_mem>>
        %dma_start3A_163 = arith.constant 0 : i32
        %dma_start3A_164 = tpu.memref_slice %arg12[%dma_start3A_163] : memref<2048xi32, #tpu.memory_space<vmem>> -> memref<1696xi32, #tpu.memory_space<vmem>>
        %dma_start3A_165 = tpu.memref_slice %arg3[%add3A_158] : memref<6400000xi32, #tpu.memory_space<hbm>> -> memref<1696xi32, #tpu.memory_space<hbm>>
        %dma_start3A_166 = tpu.memref_slice %arg3[%add3A_158] : memref<6400000xi32, #tpu.memory_space<hbm>> -> memref<1696xi32, #tpu.memory_space<hbm>>
        %dma_start3A_167 = arith.constant 0 : i32
        %dma_start3A_168 = tpu.memref_slice %arg12[%dma_start3A_167] : memref<2048xi32, #tpu.memory_space<vmem>> -> memref<1696xi32, #tpu.memory_space<vmem>>
        tpu.enqueue_dma source(%dma_start3A_168 : memref<1696xi32, #tpu.memory_space<vmem>>) target(%dma_start3A_166 : memref<1696xi32, #tpu.memory_space<hbm>>) target_semaphore(%run_scoped3A : memref<!tpu.dma_semaphore, #tpu.memory_space<semaphore_mem>>)
        %dma_wait3A_169 = arith.constant 0 : i32
        %dma_wait3A_170 = tpu.memref_slice %arg12[%dma_wait3A_169] : memref<2048xi32, #tpu.memory_space<vmem>> -> memref<1696xi32, #tpu.memory_space<vmem>>
        %dma_wait3A_171 = tpu.memref_slice %arg3[%add3A_158] : memref<6400000xi32, #tpu.memory_space<hbm>> -> memref<1696xi32, #tpu.memory_space<hbm>>
        %dma_wait3A_172 = tpu.memref_slice %arg3[%add3A_158] : memref<6400000xi32, #tpu.memory_space<hbm>> -> memref<1696xi32, #tpu.memory_space<hbm>>
        %dma_wait3A_173 = arith.constant 0 : i32
        %dma_wait3A_174 = tpu.memref_slice %arg12[%dma_wait3A_173] : memref<2048xi32, #tpu.memory_space<vmem>> -> memref<1696xi32, #tpu.memory_space<vmem>>
        tpu.wait_dma2 semaphore(%run_scoped3A : memref<!tpu.dma_semaphore, #tpu.memory_space<semaphore_mem>>) src(%dma_wait3A_174 : memref<1696xi32, #tpu.memory_space<vmem>>) dst(%dma_wait3A_172 : memref<1696xi32, #tpu.memory_space<hbm>>)
        tpu.yield
      }) : () -> ()
      %mul3A_159 = arith.constant 48 : i32
      %mul3A_160 = arith.constant 2048 : i32
      %mul3A_161 = arith.muli %mul3A_159, %mul3A_160 : i32
      %add3A_162 = arith.addi %mul3A_138, %mul3A_161 : i32
      "tpu.region"() ({
        %run_scoped3A = tpu.sem_alloc : memref<!tpu.dma_semaphore, #tpu.memory_space<semaphore_mem>>
        %dma_start3A_163 = arith.constant 0 : i32
        %dma_start3A_164 = tpu.memref_slice %arg13[%dma_start3A_163] : memref<2048xi32, #tpu.memory_space<vmem>> -> memref<1696xi32, #tpu.memory_space<vmem>>
        %dma_start3A_165 = tpu.memref_slice %arg4[%add3A_162] : memref<6400000xi32, #tpu.memory_space<hbm>> -> memref<1696xi32, #tpu.memory_space<hbm>>
        %dma_start3A_166 = tpu.memref_slice %arg4[%add3A_162] : memref<6400000xi32, #tpu.memory_space<hbm>> -> memref<1696xi32, #tpu.memory_space<hbm>>
        %dma_start3A_167 = arith.constant 0 : i32
        %dma_start3A_168 = tpu.memref_slice %arg13[%dma_start3A_167] : memref<2048xi32, #tpu.memory_space<vmem>> -> memref<1696xi32, #tpu.memory_space<vmem>>
        tpu.enqueue_dma source(%dma_start3A_168 : memref<1696xi32, #tpu.memory_space<vmem>>) target(%dma_start3A_166 : memref<1696xi32, #tpu.memory_space<hbm>>) target_semaphore(%run_scoped3A : memref<!tpu.dma_semaphore, #tpu.memory_space<semaphore_mem>>)
        %dma_wait3A_169 = arith.constant 0 : i32
        %dma_wait3A_170 = tpu.memref_slice %arg13[%dma_wait3A_169] : memref<2048xi32, #tpu.memory_space<vmem>> -> memref<1696xi32, #tpu.memory_space<vmem>>
        %dma_wait3A_171 = tpu.memref_slice %arg4[%add3A_162] : memref<6400000xi32, #tpu.memory_space<hbm>> -> memref<1696xi32, #tpu.memory_space<hbm>>
        %dma_wait3A_172 = tpu.memref_slice %arg4[%add3A_162] : memref<6400000xi32, #tpu.memory_space<hbm>> -> memref<1696xi32, #tpu.memory_space<hbm>>
        %dma_wait3A_173 = arith.constant 0 : i32
        %dma_wait3A_174 = tpu.memref_slice %arg13[%dma_wait3A_173] : memref<2048xi32, #tpu.memory_space<vmem>> -> memref<1696xi32, #tpu.memory_space<vmem>>
        tpu.wait_dma2 semaphore(%run_scoped3A : memref<!tpu.dma_semaphore, #tpu.memory_space<semaphore_mem>>) src(%dma_wait3A_174 : memref<1696xi32, #tpu.memory_space<vmem>>) dst(%dma_wait3A_172 : memref<1696xi32, #tpu.memory_space<hbm>>)
        tpu.yield
      }) : () -> ()
    }
    %scan3A_8 = arith.constant 2 : i32
    return
  }
}

module attributes {stable_mosaic.version = 14 : i64} {
  func.func @_topp_body(%arg0: i32, %arg1: memref<1x784x128xf32, #tpu.memory_space<vmem>>, %arg2: memref<1x784x128xi32, #tpu.memory_space<vmem>>, %arg3: memref<1x784x128xf32, #tpu.memory_space<vmem>>, %arg4: memref<1x784x128xf32, #tpu.memory_space<vmem>>, %arg5: memref<1x1x128xi32, #tpu.memory_space<vmem>>) attributes {dimension_semantics = [#tpu.dimension_semantics<arbitrary>], iteration_bounds = array<i64: 64>, scalar_prefetch = 0 : i64, scratch_operands = 0 : i64, tpu.core_type = #tpu.core_type<tc>, window_params = [{transform_indices = @transform_0, window_bounds = array<i64: 1, 784, 128>}, {transform_indices = @transform_1, window_bounds = array<i64: 1, 784, 128>}, {transform_indices = @transform_2, window_bounds = array<i64: 1, 784, 128>}, {transform_indices = @transform_3, window_bounds = array<i64: 1, 784, 128>}, {transform_indices = @transform_4, window_bounds = array<i64: 1, 1, 128>}]} {
    %get3A = arith.constant 0 : index
    %get3A_0 = arith.constant 0 : index
    %get3A_1 = arith.constant 0 : index
    %get3A_2 = vector.load %arg1[%get3A, %get3A_0, %get3A_1] : memref<1x784x128xf32, #tpu.memory_space<vmem>>, vector<1x784x128xf32>
    %get3A_3 = vector.shape_cast %get3A_2 : vector<1x784x128xf32> to vector<784x128xf32>
    %get3A_4 = arith.constant 0 : index
    %get3A_5 = arith.constant 0 : index
    %get3A_6 = arith.constant 0 : index
    %get3A_7 = vector.load %arg2[%get3A_4, %get3A_5, %get3A_6] : memref<1x784x128xi32, #tpu.memory_space<vmem>>, vector<1x784x128xi32>
    %get3A_8 = vector.shape_cast %get3A_7 : vector<1x784x128xi32> to vector<784x128xi32>
    %get3A_9 = arith.constant 0 : index
    %get3A_10 = arith.constant 0 : index
    %get3A_11 = arith.constant 0 : index
    %get3A_12 = vector.load %arg3[%get3A_9, %get3A_10, %get3A_11] : memref<1x784x128xf32, #tpu.memory_space<vmem>>, vector<1x784x128xf32>
    %get3A_13 = vector.shape_cast %get3A_12 : vector<1x784x128xf32> to vector<784x128xf32>
    %iota3A = tpu.iota {dimensions = array<i32: 0>} : vector<128x128xi32>
    %iota3A_14 = tpu.iota {dimensions = array<i32: 1>} : vector<128x128xi32>
    %le3A = arith.cmpi sle, %iota3A, %iota3A_14 : vector<128x128xi32>
    %convert_element_type3A = arith.extui %le3A : vector<128x128xi1> to vector<128x128xi32>
    %convert_element_type3A_15 = arith.sitofp %convert_element_type3A : vector<128x128xi32> to vector<128x128xf32>
    %dot_general3A = arith.constant dense<0.000000e+00> : vector<784x128xf32>
    %dot_general3A_16 = tpu.matmul %get3A_3, %convert_element_type3A_15, %dot_general3A {dimension_numbers = #tpu.dot_dimension_numbers<[1], [0], [0], [1], [0, 0, 1, 1], [], []>, precision = #tpu.contract_precision<fp32>, transpose_lhs_hint = false} : vector<784x128xf32>, vector<128x128xf32>, vector<784x128xf32> -> vector<784x128xf32>
    %slice3A = vector.extract_strided_slice %dot_general3A_16 {offsets = [0, 127], sizes = [784, 1], strides = [1, 1]} : vector<784x128xf32> to vector<784x1xf32>
    %iota3A_17 = tpu.iota {dimensions = array<i32: 0>} : vector<784x784xi32>
    %iota3A_18 = tpu.iota {dimensions = array<i32: 1>} : vector<784x784xi32>
    %lt3A = arith.cmpi slt, %iota3A_18, %iota3A_17 : vector<784x784xi32>
    %convert_element_type3A_19 = arith.extui %lt3A : vector<784x784xi1> to vector<784x784xi32>
    %convert_element_type3A_20 = arith.sitofp %convert_element_type3A_19 : vector<784x784xi32> to vector<784x784xf32>
    %dot_general3A_21 = arith.constant dense<0.000000e+00> : vector<784x1xf32>
    %dot_general3A_22 = tpu.matmul %convert_element_type3A_20, %slice3A, %dot_general3A_21 {dimension_numbers = #tpu.dot_dimension_numbers<[1], [0], [0], [1], [0, 0, 1, 1], [], []>, precision = #tpu.contract_precision<fp32>, transpose_lhs_hint = false} : vector<784x784xf32>, vector<784x1xf32>, vector<784x1xf32> -> vector<784x1xf32>
    %add3A = vector.broadcast %dot_general3A_22 : vector<784x1xf32> to vector<784x128xf32>
    %add3A_23 = arith.addf %dot_general3A_16, %add3A : vector<784x128xf32>
    %sub3A = arith.subf %add3A_23, %get3A_3 : vector<784x128xf32>
    %le3A_24 = arith.constant 8.000000e-01 : f32
    %le3A_25 = vector.broadcast %le3A_24 : f32 to vector<784x128xf32>
    %le3A_26 = arith.cmpf ole, %sub3A, %le3A_25 : vector<784x128xf32>
    %jit3A = arith.constant 0.000000e+00 : f32
    %broadcast_in_dim3A = vector.broadcast %jit3A : f32 to vector<784x128xf32>
    %select_n3A = arith.select %le3A_26, %get3A_3, %broadcast_in_dim3A : vector<784x128xi1>, vector<784x128xf32>
    %reduce_sum3A = vector.shape_cast %select_n3A : vector<784x128xf32> to vector<1x784x128xf32>
    %reduce_sum3A_27 = arith.constant dense<0.000000e+00> : vector<1xf32>
    %reduce_sum3A_28 = vector.multi_reduction <add>, %reduce_sum3A, %reduce_sum3A_27 [1, 2] : vector<1x784x128xf32> to vector<1xf32>
    %reduce_sum3A_29 = vector.shape_cast %reduce_sum3A_28 : vector<1xf32> to vector<1x1x1xf32>
    %reduce_sum3A_30 = vector.extract %reduce_sum3A_29[0, 0, 0] : f32 from vector<1x1x1xf32>
    %div3A = vector.broadcast %reduce_sum3A_30 : f32 to vector<784x128xf32>
    %div3A_31 = arith.divf %select_n3A, %div3A : vector<784x128xf32>
    %swap3A = arith.constant 0 : index
    %swap3A_32 = arith.constant 0 : index
    %swap3A_33 = arith.constant 0 : index
    %swap3A_34 = vector.load %arg4[%swap3A, %swap3A_32, %swap3A_33] : memref<1x784x128xf32, #tpu.memory_space<vmem>>, vector<1x784x128xf32>
    %swap3A_35 = vector.shape_cast %swap3A_34 : vector<1x784x128xf32> to vector<784x128xf32>
    %swap3A_36 = vector.shape_cast %div3A_31 : vector<784x128xf32> to vector<1x784x128xf32>
    tpu.vector_store %arg4[%swap3A, %swap3A_32, %swap3A_33], %swap3A_36 {strides = array<i32>} : memref<1x784x128xf32, #tpu.memory_space<vmem>>, vector<1x784x128xf32>,
    %add3A_37 = arith.constant 9.99999968E-21 : f32
    %add3A_38 = vector.broadcast %add3A_37 : f32 to vector<784x128xf32>
    %add3A_39 = arith.addf %div3A_31, %add3A_38 : vector<784x128xf32>
    %log3A = math.log %add3A_39 : vector<784x128xf32>
    %add3A_40 = arith.addf %log3A, %get3A_13 : vector<784x128xf32>
    %reduce_max3A = vector.shape_cast %add3A_40 : vector<784x128xf32> to vector<1x784x128xf32>
    %reduce_max3A_41 = arith.constant dense<0xFF800000> : vector<1xf32>
    %reduce_max3A_42 = vector.multi_reduction <maximumf>, %reduce_max3A, %reduce_max3A_41 [1, 2] : vector<1x784x128xf32> to vector<1xf32>
    %reduce_max3A_43 = vector.shape_cast %reduce_max3A_42 : vector<1xf32> to vector<1x1x1xf32>
    %reduce_max3A_44 = vector.extract %reduce_max3A_43[0, 0, 0] : f32 from vector<1x1x1xf32>
    %iota3A_45 = tpu.iota {dimensions = array<i32: 0>} : vector<784x128xi32>
    %mul3A = arith.constant 128 : i32
    %mul3A_46 = vector.broadcast %mul3A : i32 to vector<784x128xi32>
    %mul3A_47 = arith.muli %iota3A_45, %mul3A_46 : vector<784x128xi32>
    %iota3A_48 = tpu.iota {dimensions = array<i32: 1>} : vector<784x128xi32>
    %add3A_49 = arith.addi %mul3A_47, %iota3A_48 : vector<784x128xi32>
    %eq3A = vector.broadcast %reduce_max3A_44 : f32 to vector<784x128xf32>
    %eq3A_50 = arith.cmpf oeq, %add3A_40, %eq3A : vector<784x128xf32>
    %jit3A_51 = arith.constant 2147483647 : i32
    %broadcast_in_dim3A_52 = vector.broadcast %jit3A_51 : i32 to vector<784x128xi32>
    %select_n3A_53 = arith.select %eq3A_50, %add3A_49, %broadcast_in_dim3A_52 : vector<784x128xi1>, vector<784x128xi32>
    %reduce_min3A = vector.shape_cast %select_n3A_53 : vector<784x128xi32> to vector<1x784x128xi32>
    %reduce_min3A_54 = arith.constant dense<2147483647> : vector<1xi32>
    %reduce_min3A_55 = vector.multi_reduction <minsi>, %reduce_min3A, %reduce_min3A_54 [1, 2] : vector<1x784x128xi32> to vector<1xi32>
    %reduce_min3A_56 = vector.shape_cast %reduce_min3A_55 : vector<1xi32> to vector<1x1x1xi32>
    %reduce_min3A_57 = vector.extract %reduce_min3A_56[0, 0, 0] : i32 from vector<1x1x1xi32>
    %eq3A_58 = vector.broadcast %reduce_min3A_57 : i32 to vector<784x128xi32>
    %eq3A_59 = arith.cmpi eq, %add3A_49, %eq3A_58 : vector<784x128xi32>
    %jit3A_60 = arith.constant -1 : i32
    %broadcast_in_dim3A_61 = vector.broadcast %jit3A_60 : i32 to vector<784x128xi32>
    %select_n3A_62 = arith.select %eq3A_59, %get3A_8, %broadcast_in_dim3A_61 : vector<784x128xi1>, vector<784x128xi32>
    %reduce_max3A_63 = vector.shape_cast %select_n3A_62 : vector<784x128xi32> to vector<1x784x128xi32>
    %reduce_max3A_64 = arith.constant dense<-2147483648> : vector<1xi32>
    %reduce_max3A_65 = vector.multi_reduction <maxsi>, %reduce_max3A_63, %reduce_max3A_64 [1, 2] : vector<1x784x128xi32> to vector<1xi32>
    %reduce_max3A_66 = vector.shape_cast %reduce_max3A_65 : vector<1xi32> to vector<1x1x1xi32>
    %reduce_max3A_67 = vector.extract %reduce_max3A_66[0, 0, 0] : i32 from vector<1x1x1xi32>
    %broadcast_in_dim3A_68 = vector.broadcast %reduce_max3A_67 : i32 to vector<1x128xi32>
    %swap3A_69 = arith.constant 0 : index
    %swap3A_70 = arith.constant 0 : index
    %swap3A_71 = arith.constant 0 : index
    %swap3A_72 = vector.load %arg5[%swap3A_69, %swap3A_70, %swap3A_71] : memref<1x1x128xi32, #tpu.memory_space<vmem>>, vector<1x1x128xi32>
    %swap3A_73 = vector.shape_cast %swap3A_72 : vector<1x1x128xi32> to vector<1x128xi32>
    %swap3A_74 = vector.shape_cast %broadcast_in_dim3A_68 : vector<1x128xi32> to vector<1x1x128xi32>
    tpu.vector_store %arg5[%swap3A_69, %swap3A_70, %swap3A_71], %swap3A_74 {strides = array<i32>} : memref<1x1x128xi32, #tpu.memory_space<vmem>>, vector<1x1x128xi32>,
    return
  }
  func.func @transform_0(%arg0: i32) -> (i32, i32, i32) {
    %c0_i32 = arith.constant 0 : i32
    %c0_i32_0 = arith.constant 0 : i32
    %c0_i32_1 = arith.constant 0 : i32
    return %arg0, %c0_i32, %c0_i32_0 : i32, i32, i32
  }
  func.func @transform_1(%arg0: i32) -> (i32, i32, i32) {
    %c0_i32 = arith.constant 0 : i32
    %c0_i32_0 = arith.constant 0 : i32
    %c0_i32_1 = arith.constant 0 : i32
    return %arg0, %c0_i32, %c0_i32_0 : i32, i32, i32
  }
  func.func @transform_2(%arg0: i32) -> (i32, i32, i32) {
    %c0_i32 = arith.constant 0 : i32
    %c0_i32_0 = arith.constant 0 : i32
    %c0_i32_1 = arith.constant 0 : i32
    return %arg0, %c0_i32, %c0_i32_0 : i32, i32, i32
  }
  func.func @transform_3(%arg0: i32) -> (i32, i32, i32) {
    %c0_i32 = arith.constant 0 : i32
    %c0_i32_0 = arith.constant 0 : i32
    %c0_i32_1 = arith.constant 0 : i32
    return %arg0, %c0_i32, %c0_i32_0 : i32, i32, i32
  }
  func.func @transform_4(%arg0: i32) -> (i32, i32, i32) {
    %c0_i32 = arith.constant 0 : i32
    %c0_i32_0 = arith.constant 0 : i32
    %c0_i32_1 = arith.constant 0 : i32
    return %arg0, %c0_i32, %c0_i32_0 : i32, i32, i32
  }
}

</mosaic_0001>

<sc_bundles>
// kernel: kernel.4.cloned.1.call-start
scs
__scs_entry_jumppad:
0x0: {  	(pc) =	sbr.rel $0x88, $3  }
0x1: {  	(tag) =	ssettag $0x0;
	lr =	simm.s32 $0x1  }
0x2: {  	[smem:$0x3FA0] =	sst lr;
	_ =	strace $0xD0000000  }
0x3: {  	_ = 	snop  }
0x4: {  	_ = 	snop  }
0x5: {  	_ = 	snop  }
0x6: {  	_ = 	snop  }
0x7: {  	_ = 	snop  }
__scs_overlays_trampoline_lowered:
0x8: {  	[smem:$0x3FAF] =	sst s0  }
0x9: {  	[smem:$0x3FB0] =	sst s1  }
0xa: {  	[smem:$0x3FB1] =	sst s2  }
0xb: {  	[smem:$0x3FB2] =	sst s3  }
0xc: {  	[smem:$0x3FB3] =	sst s4  }
0xd: {  	[smem:$0x3FB4] =	sst s5  }
0xe: {  	[smem:$0x3FB5] =	sst s6  }
0xf: {  	[smem:$0x3FB6] =	sst s7  }
0x10: {  	[smem:$0x3FB7] =	sst s8  }
0x11: {  	[smem:$0x3FB8] =	sst s9;
	s0 =	simm.s32 @!p0 $0x0  }
0x12: {  	s1 =	sld [smem:$0x3F9E];
	s0 =	simm.s32 @p0 $0x1  }
0x13: {  	[smem:$0x3FB9] =	sst s0;
	s0 =	simm.s32 @!p1 $0x0  }
0x14: {  	s2 =	sld [smem:$0x3F9D];
	s0 =	simm.s32 @p1 $0x1  }
0x15: {  	[smem:$0x3FBA] =	sst s0;
	s0 =	simm.s32 @!p2 $0x0  }
0x16: {  	s3 =	sld [smem:$0x3FDB];
	s0 =	simm.s32 @p2 $0x1  }
0x17: {  	s4 =	simm.s32 $0x1BF5;
	[smem:$0x3FBC] =	sst s0  }
0x18: {  	s0 =	sld [smem:$0x3F9F];
	_ =	swait.ge [sflag:s4], $0x0  }
0x19: {  	s7 =	sld [smem:$0x3FA0]  }
0x1a: {  	s8 =	sadd.s32 $0xFFFFE003, lr  }
0x1b: {  	s9 =	sadd.s32 $0xFFFFFEF7, lr;
	s5 =	simm.s32 $0xFFFFFFFF;
	p2 =	slt.u32 s8, $0xFFFFF086  }
0x1c: {  	p1 =	slt.u32 s9, $0xF7A;
	s5 =	simm.s32 @!p2 $0x0  }
0x1d: {  	s5 =	simm.s32 @p1 $0x1;
	p0 =	seq.s32 s7, s2  }
0x1e: {  	s7 =	smul.u32 @!p0 $0xF7A, s2;
	p2 =	seq.s32 @!p0 s5, $0x0  }
0x1f: {  	s9 =	smul.u32 $0xF7A, s1;
	s8 =	simm.s32 @!p0 $0x1BF5;
	p2 =	por !p2, p0  }
0x20: {  	[sflag:s8] =	ssyncset.s32 @!p0 $0xFFFFF086;
	s6 =	sadd.s32 @!p0 s3, s7;
	s7 =	simm.s32 @!p0 $0x108  }
0x21: {  	s3 =	sadd.s32 s3, s9;
	s6 =	sadd.s32 @!p0 $0x88, s6;
	s7 =	simm.s32 @p2 $0x1082  }
0x22: {  	[simem:s7], [sflag:s8] =	dma.local @!p0 [hbm:s6], $0xF7A  }
0x23: {  	s9 =	sor.u32 $0xD0000000, s2;
	s6 =	simm.s32 $0x108;
	_ =	swait.ge @!p0 [sflag:s8], $0x0  }
0x24: {  	s3 =	sadd.s32 $0x88, s3;
	s6 =	simm.s32 @!p1 $0x1082;
	[sflag:s4] =	ssyncset.s32 $0xFFFFF086  }
0x25: {  	[simem:s6], [sflag:s4] =	dma.local [hbm:s3], $0xF7A  }
0x26: {  	[smem:$0x3FA0] =	sst s1;
	(tag) =	ssettag s2;
	_ =	strace s9  }
0x27: {  	s1 =	sld [smem:$0x3FB0]  }
0x28: {  	s2 =	sld [smem:$0x3FB1]  }
0x29: {  	s4 =	sld [smem:$0x3FB3]  }
0x2a: {  	p0 =	seq.s32 s5, $0x0;
	s5 =	sld [smem:$0x3FB4]  }
0x2b: {  	s6 =	sld [smem:$0x3FB5]  }
0x2c: {  	s7 =	sld [smem:$0x3FB6]  }
0x2d: {  	s3 =	simm.s32 $0x108;
	s8 =	sld [smem:$0x3FB7]  }
0x2e: {  	s3 =	simm.s32 @!p0 $0x1082;
	s9 =	sld [smem:$0x3FB8]  }
0x2f: {  	lr =	sadd.s32 s0, s3;
	s0 =	sld [smem:$0x3FAF]  }
0x30: {  	s3 =	sld [smem:$0x3FB2]  }
0x31: {  	[smem:$0x3FBB] =	sst s10  }
0x32: {  	s10 =	sld [smem:$0x3FB9];
	_ =	sdelay $0x3  }
0x33: {  	p0 =	seq.s32 s10, $0x1;
	s10 =	sld [smem:$0x3FBB];
	_ =	sdelay $0x3  }
0x34: {  	[smem:$0x3FBB] =	sst s10  }
0x35: {  	s10 =	sld [smem:$0x3FBA];
	_ =	sdelay $0x3  }
0x36: {  	p1 =	seq.s32 s10, $0x1;
	s10 =	sld [smem:$0x3FBB];
	_ =	sdelay $0x3  }
0x37: {  	[smem:$0x3FBB] =	sst s10  }
0x38: {  	s10 =	sld [smem:$0x3FBC]  }
0x39: {  	_ = 	snop;
	(pc) =	sbr.ind lr, $3  }
0x3a: {  	_ = 	snop  }
0x3b: {  	_ = 	snop  }
0x3c: {  	p2 =	seq.s32 s10, $0x1;
	s10 =	sld [smem:$0x3FBB]  }
0x3d: {  	_ =	shalt  }
0x3e: {  	_ =	shalt  }
0x3f: {  	_ =	shalt  }
0x40: {  	_ =	shalt  }
0x41: {  	_ =	shalt  }
0x42: {  	_ =	shalt  }
0x43: {  	_ =	shalt  }
0x44: {  	_ =	shalt  }
0x45: {  	_ =	shalt  }
0x46: {  	_ =	shalt  }
0x47: {  	_ =	shalt  }
0x48: {  	_ =	shalt  }
0x49: {  	_ =	shalt  }
0x4a: {  	_ =	shalt  }
0x4b: {  	_ =	shalt  }
0x4c: {  	_ =	shalt  }
0x4d: {  	_ =	shalt  }
0x4e: {  	_ =	shalt  }
0x4f: {  	_ =	shalt  }
0x50: {  	_ =	shalt  }
0x51: {  	_ =	shalt  }
0x52: {  	_ =	shalt  }
0x53: {  	_ =	shalt  }
0x54: {  	_ =	shalt  }
0x55: {  	_ =	shalt  }
0x56: {  	_ =	shalt  }
0x57: {  	_ =	shalt  }
0x58: {  	_ =	shalt  }
0x59: {  	_ =	shalt  }
0x5a: {  	_ =	shalt  }
0x5b: {  	_ =	shalt  }
0x5c: {  	_ =	shalt  }
0x5d: {  	_ =	shalt  }
0x5e: {  	_ =	shalt  }
0x5f: {  	_ =	shalt  }
0x60: {  	_ =	shalt  }
0x61: {  	_ =	shalt  }
0x62: {  	_ =	shalt  }
0x63: {  	_ =	shalt  }
0x64: {  	_ =	shalt  }
0x65: {  	_ =	shalt  }
0x66: {  	_ =	shalt  }
0x67: {  	_ =	shalt  }
0x68: {  	_ =	shalt  }
0x69: {  	_ =	shalt  }
0x6a: {  	_ =	shalt  }
0x6b: {  	_ =	shalt  }
0x6c: {  	_ =	shalt  }
0x6d: {  	_ =	shalt  }
0x6e: {  	_ =	shalt  }
0x6f: {  	_ =	shalt  }
0x70: {  	_ =	shalt  }
0x71: {  	_ =	shalt  }
0x72: {  	_ =	shalt  }
0x73: {  	_ =	shalt  }
0x74: {  	_ =	shalt  }
0x75: {  	_ =	shalt  }
0x76: {  	_ =	shalt  }
0x77: {  	_ =	shalt  }
0x78: {  	_ =	shalt  }
0x79: {  	_ =	shalt  }
0x7a: {  	_ =	shalt  }
0x7b: {  	_ =	shalt  }
0x7c: {  	_ =	shalt  }
0x7d: {  	_ =	shalt  }
0x7e: {  	_ =	shalt  }
0x7f: {  	_ =	shalt  }
0x80: {  	_ =	shalt  }
0x81: {  	_ =	shalt  }
0x82: {  	_ =	shalt  }
0x83: {  	_ =	shalt  }
0x84: {  	_ =	shalt  }
0x85: {  	_ =	shalt  }
0x86: {  	_ =	shalt  }
0x87: {  	_ =	shalt  }
.Lfunc_end0:
.L_simem_size_0:
called_computation_lowered:
.L_overlay_start_0:
0x88: {  	s2 =	sld [smem:$0x3FD9]  }
0x89: {  	s3 =	sld [smem:$0x3FFE];
	_ =	sdelay $0x1  }
0x8a: {  	s1 =	srdreg.scid  }
0x8b: {  	s0 =	sand.u32 $0x1, s1  }
0x8c: {  	s16 =	sshll.u32 s0, $0xA;
	s2 =	sadd.s32 s3, s2  }
0x8d: {  	s3 =	sadd.s32 s2, s16  }
0x8e: {  	[smem:$0x3FC7] =	sst s3  }
0x8f: {  	_ = 	snop  }
0x90: {  	(tm) =	ssettm $0x1  }
0x91: {  	s17 =	sld [smem:$0x3FFB];
	_ =	sdelay $0x3  }
0x92: {  	_ =	strace s17  }
0x93: {  	s3 =	sld [smem:$0x3FFC];
	_ =	sdelay $0x3  }
0x94: {  	_ =	strace s3  }
0x95: {  	s3 =	sld [smem:$0x3FFD];
	_ =	sdelay $0x3  }
0x96: {  	_ =	strace s3  }
0x97: {  	_ =	strace $0x8FFFFFFF  }
0x98: {  	s18 =	sld [smem:$0x3FDB];
	_ =	sdelay $0x1  }
0x99: {  	s4 =	simm.s32 $_scs_section_size  }
0x9a: {  	s5 =	simm.s32 $_size__tile_overlayer_lowered;
	s6 =	simm.s32 $_tile_overlayer_lowered  }
0x9b: {  	s21 =	simm.s32 $0x1BFF;
	s20 =	sshll.u32 s6, $0x1;
	s3 =	sadd.s32 s4, s18  }
0x9c: {  	s7 =	simm.s32 $0x0;
	s19 =	sshll.u32 s5, $0x1;
	s5 =	sadd.s32 s20, s3  }
0x9d: {  	[timem:s7], [sflag:s21] =	dma.local [hbm:s5], s19  }
0x9e: {  	_ =	swait.ge [sflag:s21], s19  }
0x9f: {  	s4 =	ssub.s32 $0x0, s19;
	[sflag:s21] =	ssyncset.done $0x0  }
0xa0: {  	[sflag:s21] =	ssyncadd.s32 s4;
	_ =	sdelay $0x1  }
0xa1: {  	s22 =	simm.s32 $0x1B8B  }
0xa2: {  	_ =	swait.ge [sflag:s22], $0x1  }
0xa3: {  	[sflag:s22] =	ssyncset.done $0x0  }
0xa4: {  	s24 =	simm.s32 $0x1B8E;
	s23 =	sld [smem:$0x3FFE];
	[sflag:s22] =	ssyncadd.s32 $0xFFFFFFFF  }
0xa5: {  	s25 =	simm.s32 $execute0_lowered;
	[smem:$0x3FD2] =	sst s24  }
0xa6: {  	s5 =	sshll.u32 s25, $0x1;
	_ =	strace $0x80000046;
	[dreg:$0x1] =	wrdreg $0xFFFFFFFF  }
0xa7: {  	s26 =	simm.s32 $_size_execute0_lowered;
	s3 =	sadd.s32 s3, s5;
	[dreg:$0x0] =	wrdreg $0x0  }
0xa8: {  	s5 =	sshll.u32 s26, $0x1;
	[dreg:$0x2] =	wrdreg s3  }
0xa9: {  	[dreg:$0x3] =	wrdreg s5  }
0xaa: {  	[dreg:$0x4] =	wrdreg $0xC0  }
0xab: {  	_ =	task [dreg:s7], $0x5FFFF  }
0xac: {  	[dreg:$0x1] =	wrdreg $0xFFFFFFFF  }
0xad: {  	[dreg:$0x0] =	wrdreg $0x60  }
0xae: {  	s28 =	sadd.s32 $0x800, s2;
	[dreg:$0x2] =	wrdreg s23  }
0xaf: {  	s2 =	sadd.s32 $0xC45800, s2;
	[dreg:$0x3] =	wrdreg s28  }
0xb0: {  	[dreg:$0x4] =	wrdreg s2  }
0xb1: {  	[dreg:$0x5] =	wrdreg $0x9  }
0xb2: {  	_ =	task.clear_ibuf [dreg:s7], $0x6FFFF;
	_ =	strace $0x90000046  }
0xb3: {  	s29 =	simm.s32 $0x9;
	_ =	strace $0x80000048  }
0xb4: {  	_ =	swait.ge [sflag:s29], $0x1  }
0xb5: {  	[sflag:s29] =	ssyncadd.s32 $0xFFFFFFFF  }
0xb6: {  	_ =	strace $0x90000048  }
0xb7: {  	_ =	sfence  }
0xb8: {  	s30 =	sld [smem:$0x0];
	_ =	sdelay $0x2  }
0xb9: {  	s31 =	sshll.u32 s1, $0xD;
	s1 =	sshrl.u32 s1, $0x2  }
0xba: {  	s3 =	sand.u32 $0x4000, s31;
	s1 =	sadd.s32 s1, s30  }
0xbb: {  	s0 =	sor.u32 s3, s0;
	s1 =	sshll.u32 s1, $0x11  }
0xbc: {  	s0 =	sor.u32 s1, s0  }
0xbd: {  	s0 =	sadd.s32 $0x8F2B, s0  }
0xbe: {  	[sflag:s0] =	ssyncadd.remote.s32 $0x1  }
0xbf: {  	_ =	sfence.sel $0xFFFF  }
0xc0: {  	[dreg:$0x0] =	wrdreg $0xFFFFFFFF;
	(pc) =	sbr.abs _section_cstart, $3  }
0xc1: {  	[dreg:$0x1] =	wrdreg $0xFFFFFFFF  }
0xc2: {  	_ =	task.clear_ibuf [dreg:s7], $0x2FFFF;
	_ =	strace $0x9FFFFFFF  }
0xc3: {  	(tm) =	ssettm $0x7FFFFFFF  }
tec
execute0_lowered:
.L_overlay_start_1:
0x0: {  	(tag) =	ssettag $0x1  }
0x1: {  	s1 =	rddreg [dreg:$0x0]  }
0x2: {  	s2 =	rddreg [dreg:$0x1]  }
0x3: {  	s3 =	rddreg [dreg:$0x2]  }
0x4: {  	s0 =	rddreg [dreg:$0x3];
	s4 =	simm.s32 $0x0  }
0x5: {  	s5 =	srdreg.scid;
	s11 =	simm.s32 $0x2;
	s12 =	simm.s32 $0x10800  }
0x6: {  	s13 =	simm.s32 $0x800;
	s14 =	simm.s32 $0x18800;
	s15 =	simm.s32 $0x1  }
0x7: {  	s16 =	simm.s32 $0x8800;
	s17 =	simm.s32 $0x19000;
	s18 =	simm.s32 $0x19800  }
0x8: {  	s19 =	simm.s32 $0x0;
	[smem:$0x7FF] =	sst s4;
	s8 =	sand.u32 $0x1, s5  }
0x9: {  	s6 =	sadd.s32 $0xC3600, s1;
	s7 =	sadd.s32 $0x186C00, s1;
	s9 =	ssub.s32 $0x2, s8  }
0xa: {  	s5 =	stileid.u32;
	_ =	strace $0x80000047;
	s10 =	sshrl.u32 s9, $0x1  }
0xb: {  	v0 =	vimm.s32 $0x0;
	v1 =	vlaneseq.u32;
	s31 =	sshll.u32 s5, $0x2;
	s8 =	sshll.u32 s8, $0x1;
	s9 =	ssub.s32 s9, s10  }
0xc: {  	v2 =	vmul.u32 $0x10, v1;
	v3 =	vor.u32 $0x18000, v1;
	v4 =	vor.u32 $0xFFFFF960, v1;
	s8 =	sor.u32 s8, s31;
	s10 =	simm.s32 $0x8000;
	s9 =	smax.u32 s9, $0x1  }
.LBB2_1:
0xd: {  	p1 =	por $0x1, $0x1;
	s20 =	simm.s32 $0x0  }
.LBB2_2:
0xe: {  	p0 =	por p1, p1;
	s21 =	simm.s32 $0x40;
	s22 =	simm.s32 $0x0  }
.LBB2_3:
0xf: {  	p1 =	sne.s32 s21, $0x1FFC0;
	[tilespmem:s22+$0x0] =	vst v0;
	s22 =	smov.u32 s21;
	s21 =	sadd.s32 $0x40, s21  }
.Ltmp0:
0x10: {  	(pc) =	sbr.rel @p1 .LBB2_3-.Ltmp0, $2  }
0x11: {  	_ =	sdelay $0x2  }
0x12: {  	s22 =	sshra.s32 s22, $0x2  }
0x13: {  	s23 =	sor.u32 s8, s20  }
0x14: {  	[tilespmem:s22+$0x0] =	vst v0;
	s20 =	simm.s32 $0x0;
	s22 =	simm.s32 $0x0;
	s21 =	smul.u32 $0x186A0, s23  }
.LBB2_5:
0x15: {  	s24 =	sshll.u32 s22, $0xB  }
0x16: {  	s24 =	sadd.s32 s21, s24  }
0x17: {  	s24 =	sshrl.u32 s24, $0x3  }
0x18: {  	s24 =	sadd.s32 s1, s24  }
0x19: {  	[tilespmem:s10], [sflag:$0x2] =	stream.linear.gather [hbm4b:s24+s20], $0x800, $0x38;
	[tilespmem:$0x1A000] =	vst v63  }
0x1a: {  	_ =	swait.ge [sflag:s11], $0x800  }
0x1b: {  	[sflag:s11] =	ssyncset.done $0x0  }
0x1c: {  	s25 =	simm.s32 $0x0;
	s24 =	simm.s32 $0x40;
	[sflag:s11] =	ssyncadd.s32 $0xFFFFF800  }
.LBB2_6:
0x1d: {  	p1 =	sne.s32 s24, $0x1FC0;
	v5 =	vld [tilespmem:s25+$0x8000];
	_ =	sdelay $0x4  }
0x1e: {  	v5 =	vand.u32 $0x7FFF, v5  }
0x1f: {  	(xrf1) =	vunique.msk.u32 $0xffff, v5;
	_ =	sdelay $0xd  }
0x20: {  	_, v6, vm0 =	vpop (xrf1);
	_ =	sdelay $0x1  }
.Ltmp1:
0x21: {  	(pc) =	sbr.rel @p1 .LBB2_6-.Ltmp1, $2  }
0x22: {  	_ =	sdelay $0x2  }
0x23: {  	s25 =	sshra.s32 s24, $0x2;
	s24 =	sadd.s32 $0x40, s24;
	[tilespmem:v5+s4+$0x0] =	vst.idx.add.s32.msk vm0, v6  }
0x24: {  	v5 =	vld [tilespmem:s25+$0x8000];
	_ =	sdelay $0x4  }
0x25: {  	v5 =	vand.u32 $0x7FFF, v5  }
0x26: {  	(xrf1) =	vunique.msk.u32 $0xffff, v5;
	_ =	sdelay $0xd  }
0x27: {  	s22 =	sadd.s32 $0x1, s22;
	_, v6, vm0 =	vpop (xrf1)  }
0x28: {  	p1 =	sne.s32 s22, $0x30  }
.Ltmp2:
0x29: {  	_ = 	snop;
	(pc) =	sbr.rel @p1 .LBB2_5-.Ltmp2, $2  }
0x2a: {  	_ =	sdelay $0x2  }
0x2b: {  	[tilespmem:v5+s4+$0x0] =	vst.idx.add.s32.msk vm0, v6  }
0x2c: {  	s20 =	sshrl.u32 s21, $0x3  }
0x2d: {  	s20 =	sadd.s32 $0x3000, s20  }
0x2e: {  	s22 =	simm.s32 $0x0;
	s25 =	sadd.s32 s1, s20  }
0x2f: {  	[tilespmem:s10], [sflag:$0x2] =	stream.linear.gather [hbm4b:s25+s22], $0x6A0, $0x38;
	[tilespmem:$0x1A000] =	vst v63  }
0x30: {  	_ =	swait.ge [sflag:s11], $0x6A0  }
0x31: {  	[sflag:s11] =	ssyncset.done $0x0  }
0x32: {  	s26 =	simm.s32 $0x0;
	s24 =	simm.s32 $0x40;
	[sflag:s11] =	ssyncadd.s32 $0xFFFFF960  }
.LBB2_9:
0x33: {  	p1 =	seq.s32 s24, $0x1A40;
	v5 =	vld [tilespmem:s26+$0x8000];
	_ =	sdelay $0x4  }
0x34: {  	v5 =	vand.u32 $0x7FFF, v5  }
0x35: {  	(xrf1) =	vunique.msk.u32 $0xffff, v5;
	_ =	sdelay $0xd  }
0x36: {  	_, v6, vm0 =	vpop (xrf1);
	_ =	sdelay $0x1  }
.Ltmp3:
0x37: {  	(pc) =	sbr.rel @!p1 .LBB2_9-.Ltmp3, $2  }
0x38: {  	_ =	sdelay $0x2  }
0x39: {  	s26 =	sshra.s32 s24, $0x2;
	s24 =	sadd.s32 $0x40, s24;
	[tilespmem:v5+s22+$0x0] =	vst.idx.add.s32.msk vm0, v6  }
0x3a: {  	v5 =	vld [tilespmem:s26+$0x8000];
	_ =	sdelay $0x4  }
0x3b: {  	v5 =	vand.u32 $0x7FFF, v5  }
0x3c: {  	(xrf1) =	vunique.msk.u32 $0xffff, v5;
	_ =	sdelay $0xd  }
0x3d: {  	_, v6, vm0 =	vpop (xrf1);
	_ =	sdelay $0x5  }
0x3e: {  	s24 =	simm.s32 $0x0;
	[tilespmem:v5+s22+$0x0] =	vst.idx.add.s32.msk vm0, v6  }
0x3f: {  	v5 =	vld [tilespmem:s24+$0x0];
	_ =	sdelay $0x4  }
0x40: {  	(xrf0) =	vadd.scan.msk.s32 $0xffff, v5;
	_ =	sdelay $0x5  }
0x41: {  	v6, _, _ =	vpop (xrf0)  }
0x42: {  	v7 =	vxor.u32 $0x80000000, v6  }
0x43: {  	(xrf0) =	vmax.scan.msk.u32 $0xffff, v7;
	_ =	sdelay $0x4  }
0x44: {  	v5 =	vsub.s32 s22, v5  }
0x45: {  	v5 =	vadd.s32 v6, v5;
	v6, _, _ =	vpop (xrf0)  }
0x46: {  	s26 =	simm.s32 $0x80;
	[tilespmem:s24+$0x0] =	vst v5;
	s24 =	simm.s32 $0x10;
	(v2sf) =	vpush v6, $0xF  }
.LBB2_11:
0x47: {  	p1 =	seq.s32 s26, $0x1FFC0;
	v5 =	vld [tilespmem:s24+$0x0];
	_ =	sdelay $0x4  }
0x48: {  	(xrf0) =	vadd.scan.msk.s32 $0xffff, v5;
	_ =	sdelay $0x5  }
0x49: {  	v6, _, _ =	vpop (xrf0)  }
0x4a: {  	v7 =	vxor.u32 $0x80000000, v6  }
0x4b: {  	(xrf0) =	vmax.scan.msk.u32 $0xffff, v7  }
0x4c: {  	s28 =	spop (v2sf)  }
0x4d: {  	s22 =	sadd.s32 s28, s22  }
.Ltmp4:
0x4e: {  	s22 =	sadd.s32 $0x80000000, s22;
	(pc) =	sbr.rel @!p1 .LBB2_11-.Ltmp4, $4  }
0x4f: {  	v7 =	vsub.s32 s22, v5  }
0x50: {  	v6 =	vadd.s32 v6, v7  }
0x51: {  	[tilespmem:s24+$0x0] =	vst v6;
	v5, _, _ =	vpop (xrf0)  }
0x52: {  	s24 =	sshra.s32 s26, $0x2;
	s26 =	sadd.s32 $0x40, s26;
	(v2sf) =	vpush v5, $0xF  }
0x53: {  	v5 =	vld [tilespmem:s24+$0x0];
	_ =	sdelay $0x4  }
0x54: {  	(xrf0) =	vadd.scan.msk.s32 $0xffff, v5;
	_ =	sdelay $0x5  }
0x55: {  	v6, _, _ =	vpop (xrf0)  }
0x56: {  	v7 =	vxor.u32 $0x80000000, v6  }
0x57: {  	(xrf0) =	vmax.scan.msk.u32 $0xffff, v7;
	_ =	sdelay $0x5  }
0x58: {  	v7, _, _ =	vpop (xrf0)  }
0x59: {  	(v2sf) =	vpush v7, $0xF;
	_ =	sdelay $0x7  }
0x5a: {  	s26 =	spop (v2sf)  }
0x5b: {  	s22 =	sadd.s32 s26, s22  }
0x5c: {  	s22 =	sadd.s32 $0x80000000, s22  }
0x5d: {  	v5 =	vsub.s32 s22, v5;
	s22 =	smul.u32 $0x188A0, s23  }
0x5e: {  	v5 =	vadd.s32 v6, v5  }
0x5f: {  	[tilespmem:s24+$0x0] =	vst v5;
	v5 =	vmov s22  }
0x60: {  	v5 =	vadd.s32 $0xFFFFFFFF, v5  }
0x61: {  	s26 =	simm.s32 $0x0;
	s24 =	simm.s32 $0x0;
	v5 =	vbroadcast v5, $0x0;
	s31 =	spop (v2sf)  }
.LBB2_13:
0x62: {  	s30 =	sshll.u32 s26, $0xB  }
0x63: {  	s28 =	sadd.s32 s21, s30  }
0x64: {  	s28 =	sshrl.u32 s28, $0x3  }
0x65: {  	s29 =	sadd.s32 s1, s28;
	s28 =	simm.s32 $0x8000  }
0x66: {  	[tilespmem:s28], [sflag:$0x2] =	stream.linear.gather [hbm4b:s29+s24], $0x800, $0x38;
	[tilespmem:$0x1A000] =	vst v63  }
0x67: {  	_ =	swait.ge [sflag:s11], $0x800  }
0x68: {  	[sflag:s11] =	ssyncset.done $0x0  }
0x69: {  	[sflag:s11] =	ssyncadd.s32 $0xFFFFF800  }
0x6a: {  	v9 =	vld [tilespmem:s28+$0x0];
	_ =	sdelay $0x4  }
0x6b: {  	v6 =	vand.u32 $0x7FFF, v9  }
0x6c: {  	(xrf1) =	vunique.msk.u32 $0xffff, v6;
	_ =	sdelay $0x8  }
0x6d: {  	v7 =	vld.idx.msk [tilespmem:v6+s4+$0x0], $0xffff  }
0x6e: {  	v8 =	vmov s24;
	_ =	sdelay $0x3  }
0x6f: {  	v10 =	vshll.u32 v8, $0x4;
	v7 =	vadd.s32 v5, v7;
	_, v8, vm0 =	vpop (xrf1)  }
0x70: {  	v10 =	vor.u32 v2, v10;
	v7 =	vadd.s32 v8, v7  }
0x71: {  	v11 =	vor.u32 $0x1, v10;
	vm1 =	vgt.s32 v7, $0x0  }
0x72: {  	v7 =	vnsel vm1, $0x0, v7  }
0x73: {  	s29 =	simm.s32 $0x18800;
	v12 =	vmin.u32 v7, $0x6227FF  }
0x74: {  	v7 =	vor.u32 s30, v1;
	[tilespmem:s29+$0x0] =	vst v12  }
0x75: {  	v63 =	vor.u32 s24, v7;
	[tilespmem:v10+s12+$0x0] =	vst.idx.msk $0xffff, v9  }
0x76: {  	s30 =	simm.s32 $0x10;
	[tilespmem:v11+s12+$0x0] =	vst.idx.msk $0xffff, v63  }
.LBB2_14:
0x77: {  	p1 =	sne.s32 s30, $0x7F0;
	[tilespmem:v6+s4+$0x0] =	vst.idx.add.s32.msk vm0, v8;
	s28 =	sadd.s32 $0x10, s28;
	s29 =	sadd.s32 $0x10, s29  }
0x78: {  	s31 =	smov.u32 s30;
	s30 =	sadd.s32 $0x10, s30;
	v9 =	vld [tilespmem:s28+$0x0];
	_ =	sdelay $0x4  }
0x79: {  	v6 =	vand.u32 $0x7FFF, v9  }
0x7a: {  	(xrf1) =	vunique.msk.u32 $0xffff, v6;
	_ =	sdelay $0x7  }
0x7b: {  	v8 =	vld.idx.msk [tilespmem:v6+s4+$0x0], $0xffff;
	_ =	sdelay $0x4  }
0x7c: {  	v10 =	vmov s31  }
0x7d: {  	v10 =	vshll.u32 v10, $0x4;
	v11 =	vadd.s32 v5, v8;
	_, v8, vm0 =	vpop (xrf1)  }
0x7e: {  	v10 =	vor.u32 v2, v10;
	v11 =	vadd.s32 v8, v11  }
0x7f: {  	v12 =	vor.u32 $0x1, v10;
	vm1 =	vgt.s32 v11, $0x0  }
.Ltmp5:
0x80: {  	v11 =	vnsel vm1, $0x0, v11;
	(pc) =	sbr.rel @p1 .LBB2_14-.Ltmp5, $4  }
0x81: {  	v11 =	vmin.u32 v11, $0x6227FF  }
0x82: {  	[tilespmem:s29+$0x0] =	vst v11  }
0x83: {  	v11 =	vor.u32 s31, v7;
	[tilespmem:v10+s12+$0x0] =	vst.idx.msk $0xffff, v9  }
0x84: {  	[tilespmem:v12+s12+$0x0] =	vst.idx.msk $0xffff, v11  }
0x85: {  	_ =	sdelay $0x2  }
0x86: {  	s26 =	sadd.s32 $0x1, s26  }
0x87: {  	p1 =	sne.s32 s26, $0x30  }
.Ltmp6:
0x88: {  	[tilespmem:v6+s4+$0x0] =	vst.idx.add.s32.msk vm0, v8;
	(pc) =	sbr.rel @p1 .LBB2_13-.Ltmp6, $4  }
0x89: {  	[hbm4b:s2+s13] =	stream.indirect.scatter [tilespmem:s12], [sflag:$0x1], $0x10, s14, s13, $0xb8;
	[tilespmem:$0x1A000] =	vst v63  }
0x8a: {  	_ =	swait.ge [sflag:s15], $0x8000  }
0x8b: {  	[sflag:s15] =	ssyncset.done $0x0  }
0x8c: {  	[sflag:s15] =	ssyncadd.s32 $0xFFFF8000  }
0x8d: {  	s28 =	simm.s32 $0x0;
	s24 =	simm.s32 $0x8000  }
0x8e: {  	[tilespmem:s24], [sflag:$0x2] =	stream.linear.gather [hbm4b:s25+s28], $0x6A0, $0x38;
	[tilespmem:$0x1A000] =	vst v63  }
0x8f: {  	_ =	swait.ge [sflag:s11], $0x6A0  }
0x90: {  	[sflag:s11] =	ssyncset.done $0x0  }
0x91: {  	[sflag:s11] =	ssyncadd.s32 $0xFFFFF960  }
0x92: {  	v8 =	vld [tilespmem:s24+$0x0];
	_ =	sdelay $0x4  }
0x93: {  	v6 =	vand.u32 $0x7FFF, v8  }
0x94: {  	(xrf1) =	vunique.msk.u32 $0xffff, v6;
	_ =	sdelay $0x8  }
0x95: {  	v7 =	vld.idx.msk [tilespmem:v6+s4+$0x0], $0xffff;
	_ =	sdelay $0x3  }
0x96: {  	v9 =	vmov s28  }
0x97: {  	v9 =	vshll.u32 v9, $0x4;
	v10 =	vadd.s32 v5, v7;
	_, v7, vm0 =	vpop (xrf1)  }
0x98: {  	v9 =	vor.u32 v2, v9;
	v10 =	vadd.s32 v7, v10  }
0x99: {  	v11 =	vor.u32 $0x1, v9;
	vm1 =	vgt.s32 v10, $0x0  }
0x9a: {  	v10 =	vnsel vm1, $0x0, v10  }
0x9b: {  	s26 =	simm.s32 $0x18800;
	v10 =	vmin.u32 v10, $0x6227FF  }
0x9c: {  	[tilespmem:s26+$0x0] =	vst v10  }
0x9d: {  	v63 =	vor.u32 s28, v3;
	[tilespmem:v9+s12+$0x0] =	vst.idx.msk $0xffff, v8  }
0x9e: {  	s28 =	simm.s32 $0x10;
	[tilespmem:v11+s12+$0x0] =	vst.idx.msk $0xffff, v63  }
.LBB2_17:
0x9f: {  	p1 =	seq.s32 s28, $0x690;
	[tilespmem:v6+s4+$0x0] =	vst.idx.add.s32.msk vm0, v7;
	s24 =	sadd.s32 $0x10, s24;
	s26 =	sadd.s32 $0x10, s26  }
0xa0: {  	s29 =	smov.u32 s28;
	s28 =	sadd.s32 $0x10, s28;
	v8 =	vld [tilespmem:s24+$0x0];
	_ =	sdelay $0x4  }
0xa1: {  	v6 =	vand.u32 $0x7FFF, v8  }
0xa2: {  	(xrf1) =	vunique.msk.u32 $0xffff, v6;
	_ =	sdelay $0x7  }
0xa3: {  	v7 =	vld.idx.msk [tilespmem:v6+s4+$0x0], $0xffff;
	_ =	sdelay $0x4  }
0xa4: {  	v9 =	vmov s29  }
0xa5: {  	v9 =	vshll.u32 v9, $0x4;
	v10 =	vadd.s32 v5, v7;
	_, v7, vm0 =	vpop (xrf1)  }
0xa6: {  	v9 =	vor.u32 v2, v9;
	v10 =	vadd.s32 v7, v10  }
0xa7: {  	v11 =	vor.u32 $0x1, v9;
	vm1 =	vgt.s32 v10, $0x0  }
.Ltmp7:
0xa8: {  	v10 =	vnsel vm1, $0x0, v10;
	(pc) =	sbr.rel @!p1 .LBB2_17-.Ltmp7, $4  }
0xa9: {  	v10 =	vmin.u32 v10, $0x6227FF  }
0xaa: {  	[tilespmem:s26+$0x0] =	vst v10  }
0xab: {  	v10 =	vor.u32 s29, v3;
	[tilespmem:v9+s12+$0x0] =	vst.idx.msk $0xffff, v8  }
0xac: {  	[tilespmem:v11+s12+$0x0] =	vst.idx.msk $0xffff, v10  }
0xad: {  	_ =	sdelay $0x2  }
0xae: {  	s24 =	sadd.s32 $0x186A0, s22  }
0xaf: {  	s28 =	sadd.s32 $0x6A0, s24  }
0xb0: {  	[tilespmem:v6+s4+$0x0] =	vst.idx.add.s32.msk vm0, v7;
	s26 =	simm.s32 $0x18EA0;
	v6 =	vadd.s32 s28, v4  }
0xb1: {  	s28 =	simm.s32 $0x6B0;
	[tilespmem:s26+$0x0] =	vst v6  }
.LBB2_19:
0xb2: {  	p1 =	sne.s32 s28, $0x7F0  }
.Ltmp8:
0xb3: {  	_ = 	snop;
	(pc) =	sbr.rel @p1 .LBB2_19-.Ltmp8, $4  }
0xb4: {  	_ = 	snop  }
0xb5: {  	s29 =	sadd.s32 s24, s28;
	s28 =	sadd.s32 $0x10, s28  }
0xb6: {  	s26 =	sadd.s32 $0x10, s26;
	v6 =	vadd.s32 s29, v4  }
0xb7: {  	[tilespmem:s26+$0x0] =	vst v6  }
0xb8: {  	[hbm4b:s2+s13] =	stream.indirect.scatter [tilespmem:s12], [sflag:$0x1], $0x10, s14, s13, $0xb8;
	[tilespmem:$0x1A000] =	vst v63  }
0xb9: {  	_ =	swait.ge [sflag:s15], $0x8000  }
0xba: {  	s26 =	simm.s32 $0x0;
	[sflag:s15] =	ssyncset.done $0x0  }
0xbb: {  	s28 =	simm.s32 $0x40;
	s29 =	simm.s32 $0x0;
	[sflag:s15] =	ssyncadd.s32 $0xFFFF8000  }
.LBB2_21:
0xbc: {  	p1 =	sne.s32 s28, $0x1FFC0;
	[tilespmem:s29+$0x0] =	vst v0;
	s29 =	smov.u32 s28;
	s28 =	sadd.s32 $0x40, s28  }
.Ltmp9:
0xbd: {  	(pc) =	sbr.rel @p1 .LBB2_21-.Ltmp9, $2  }
0xbe: {  	_ =	sdelay $0x2  }
0xbf: {  	s29 =	sshra.s32 s29, $0x2  }
0xc0: {  	[tilespmem:s29+$0x0] =	vst v0  }
.LBB2_23:
0xc1: {  	s28 =	sshll.u32 s26, $0xB  }
0xc2: {  	s28 =	sadd.s32 s21, s28  }
0xc3: {  	s28 =	sshrl.u32 s28, $0x3  }
0xc4: {  	s29 =	simm.s32 $0x0;
	s28 =	sadd.s32 s1, s28  }
0xc5: {  	[tilespmem:s10], [sflag:$0x2] =	stream.linear.gather [hbm4b:s28+s29], $0x800, $0x38;
	[tilespmem:$0x1A000] =	vst v63  }
0xc6: {  	_ =	swait.ge [sflag:s11], $0x800  }
0xc7: {  	[sflag:s11] =	ssyncset.done $0x0  }
0xc8: {  	s29 =	simm.s32 $0x0;
	s28 =	simm.s32 $0x40;
	[sflag:s11] =	ssyncadd.s32 $0xFFFFF800  }
.LBB2_24:
0xc9: {  	p1 =	sne.s32 s28, $0x1FC0;
	v6 =	vld [tilespmem:s29+$0x8000];
	_ =	sdelay $0x4  }
0xca: {  	v6 =	vshrl.u32 v6, $0xF  }
0xcb: {  	(xrf1) =	vunique.msk.u32 $0xffff, v6;
	_ =	sdelay $0xd  }
0xcc: {  	_, v7, vm0 =	vpop (xrf1);
	_ =	sdelay $0x1  }
.Ltmp10:
0xcd: {  	(pc) =	sbr.rel @p1 .LBB2_24-.Ltmp10, $2  }
0xce: {  	_ =	sdelay $0x2  }
0xcf: {  	s29 =	sshra.s32 s28, $0x2;
	s28 =	sadd.s32 $0x40, s28;
	[tilespmem:v6+s4+$0x0] =	vst.idx.add.s32.msk vm0, v7  }
0xd0: {  	v6 =	vld [tilespmem:s29+$0x8000];
	_ =	sdelay $0x4  }
0xd1: {  	v6 =	vshrl.u32 v6, $0xF  }
0xd2: {  	(xrf1) =	vunique.msk.u32 $0xffff, v6;
	_ =	sdelay $0xd  }
0xd3: {  	s26 =	sadd.s32 $0x1, s26;
	_, v7, vm0 =	vpop (xrf1)  }
0xd4: {  	p1 =	sne.s32 s26, $0x30  }
.Ltmp11:
0xd5: {  	_ = 	snop;
	(pc) =	sbr.rel @p1 .LBB2_23-.Ltmp11, $2  }
0xd6: {  	_ =	sdelay $0x2  }
0xd7: {  	[tilespmem:v6+s4+$0x0] =	vst.idx.add.s32.msk vm0, v7  }
0xd8: {  	s26 =	simm.s32 $0x0  }
0xd9: {  	[tilespmem:s10], [sflag:$0x2] =	stream.linear.gather [hbm4b:s25+s26], $0x6A0, $0x38;
	[tilespmem:$0x1A000] =	vst v63  }
0xda: {  	_ =	swait.ge [sflag:s11], $0x6A0  }
0xdb: {  	[sflag:s11] =	ssyncset.done $0x0  }
0xdc: {  	s28 =	simm.s32 $0x0;
	s25 =	simm.s32 $0x40;
	[sflag:s11] =	ssyncadd.s32 $0xFFFFF960  }
.LBB2_27:
0xdd: {  	p1 =	seq.s32 s25, $0x1A40;
	v6 =	vld [tilespmem:s28+$0x8000];
	_ =	sdelay $0x4  }
0xde: {  	v6 =	vshrl.u32 v6, $0xF  }
0xdf: {  	(xrf1) =	vunique.msk.u32 $0xffff, v6;
	_ =	sdelay $0xd  }
0xe0: {  	_, v7, vm0 =	vpop (xrf1);
	_ =	sdelay $0x1  }
.Ltmp12:
0xe1: {  	(pc) =	sbr.rel @!p1 .LBB2_27-.Ltmp12, $2  }
0xe2: {  	_ =	sdelay $0x2  }
0xe3: {  	s28 =	sshra.s32 s25, $0x2;
	s25 =	sadd.s32 $0x40, s25;
	[tilespmem:v6+s26+$0x0] =	vst.idx.add.s32.msk vm0, v7  }
0xe4: {  	v6 =	vld [tilespmem:s28+$0x8000];
	_ =	sdelay $0x4  }
0xe5: {  	v6 =	vshrl.u32 v6, $0xF  }
0xe6: {  	(xrf1) =	vunique.msk.u32 $0xffff, v6;
	_ =	sdelay $0xd  }
0xe7: {  	_, v7, vm0 =	vpop (xrf1);
	_ =	sdelay $0x5  }
0xe8: {  	s25 =	simm.s32 $0x0;
	[tilespmem:v6+s26+$0x0] =	vst.idx.add.s32.msk vm0, v7  }
0xe9: {  	v6 =	vld [tilespmem:s25+$0x0];
	_ =	sdelay $0x4  }
0xea: {  	(xrf0) =	vadd.scan.msk.s32 $0xffff, v6;
	_ =	sdelay $0x5  }
0xeb: {  	v7, _, _ =	vpop (xrf0)  }
0xec: {  	v8 =	vxor.u32 $0x80000000, v7  }
0xed: {  	(xrf0) =	vmax.scan.msk.u32 $0xffff, v8;
	_ =	sdelay $0x4  }
0xee: {  	v6 =	vsub.s32 s26, v6  }
0xef: {  	v6 =	vadd.s32 v7, v6;
	v7, _, _ =	vpop (xrf0)  }
0xf0: {  	s28 =	simm.s32 $0x80;
	[tilespmem:s25+$0x0] =	vst v6;
	s25 =	simm.s32 $0x10;
	(v2sf) =	vpush v7, $0xF  }
.LBB2_29:
0xf1: {  	p1 =	seq.s32 s28, $0x1FFC0;
	v6 =	vld [tilespmem:s25+$0x0];
	_ =	sdelay $0x4  }
0xf2: {  	(xrf0) =	vadd.scan.msk.s32 $0xffff, v6;
	_ =	sdelay $0x5  }
0xf3: {  	v7, _, _ =	vpop (xrf0)  }
0xf4: {  	v8 =	vxor.u32 $0x80000000, v7  }
0xf5: {  	(xrf0) =	vmax.scan.msk.u32 $0xffff, v8  }
0xf6: {  	s29 =	spop (v2sf)  }
0xf7: {  	s26 =	sadd.s32 s29, s26  }
.Ltmp13:
0xf8: {  	s26 =	sadd.s32 $0x80000000, s26;
	(pc) =	sbr.rel @!p1 .LBB2_29-.Ltmp13, $4  }
0xf9: {  	v8 =	vsub.s32 s26, v6  }
0xfa: {  	v7 =	vadd.s32 v7, v8  }
0xfb: {  	[tilespmem:s25+$0x0] =	vst v7;
	v6, _, _ =	vpop (xrf0)  }
0xfc: {  	s25 =	sshra.s32 s28, $0x2;
	s28 =	sadd.s32 $0x40, s28;
	(v2sf) =	vpush v6, $0xF  }
0xfd: {  	v6 =	vld [tilespmem:s25+$0x0];
	_ =	sdelay $0x4  }
0xfe: {  	(xrf0) =	vadd.scan.msk.s32 $0xffff, v6;
	_ =	sdelay $0x5  }
0xff: {  	v7, _, _ =	vpop (xrf0)  }
0x100: {  	v8 =	vxor.u32 $0x80000000, v7  }
0x101: {  	(xrf0) =	vmax.scan.msk.u32 $0xffff, v8;
	_ =	sdelay $0x5  }
0x102: {  	v8, _, _ =	vpop (xrf0)  }
0x103: {  	(v2sf) =	vpush v8, $0xF;
	_ =	sdelay $0x9  }
0x104: {  	s28 =	spop (v2sf)  }
0x105: {  	s26 =	sadd.s32 s28, s26  }
0x106: {  	s26 =	sadd.s32 $0x80000000, s26  }
0x107: {  	v6 =	vsub.s32 s26, v6  }
0x108: {  	s23 =	smul.u32 $0x188A00, s23;
	v6 =	vadd.s32 v7, v6  }
0x109: {  	s26 =	simm.s32 $0x0;
	[tilespmem:s25+$0x0] =	vst v6;
	s25 =	simm.s32 $0x0;
	s31 =	spop (v2sf)  }
.LBB2_31:
0x10a: {  	s28 =	sshll.u32 s26, $0xF  }
0x10b: {  	v6 =	vmov s25;
	s28 =	sadd.s32 s23, s28  }
0x10c: {  	v6 =	vshll.u32 v6, $0x4;
	s28 =	sshrl.u32 s28, $0x3  }
0x10d: {  	v6 =	vor.u32 v2, v6;
	s28 =	sadd.s32 s2, s28  }
0x10e: {  	[tilespmem:s16], [sflag:$0x2] =	stream.linear.gather [hbm4b:s28+s25], $0x8000, $0x38;
	[tilespmem:$0x1A000] =	vst v63  }
0x10f: {  	_ =	swait.ge [sflag:s11], $0x8000  }
0x110: {  	[sflag:s11] =	ssyncset.done $0x0  }
0x111: {  	[sflag:s11] =	ssyncadd.s32 $0xFFFF8000  }
0x112: {  	v8 =	vld.idx.msk [tilespmem:v6+s16+$0x0], $0xffff;
	_ =	sdelay $0x4  }
0x113: {  	v9 =	vshrl.u32 v8, $0xF  }
0x114: {  	(xrf1) =	vunique.msk.u32 $0xffff, v9;
	_ =	sdelay $0x8  }
0x115: {  	v10 =	vld.idx.msk [tilespmem:v9+s4+$0x0], $0xffff;
	_ =	sdelay $0x2  }
0x116: {  	v7 =	vor.u32 $0x1, v6;
	_ =	sdelay $0x1  }
0x117: {  	v10 =	vadd.s32 v5, v10;
	_, v11, vm0 =	vpop (xrf1)  }
0x118: {  	v10 =	vadd.s32 v11, v10  }
0x119: {  	s28 =	simm.s32 $0x10;
	vm1 =	vgt.s32 v10, $0x0  }
0x11a: {  	v12 =	vmov s28;
	v13 =	vnsel vm1, $0x0, v10;
	v10 =	vld.idx.msk [tilespmem:v7+s16+$0x0], $0xffff  }
0x11b: {  	v12 =	vshll.u32 v12, $0x4  }
0x11c: {  	s29 =	simm.s32 $0x20;
	s28 =	simm.s32 $0x18800;
	v12 =	vor.u32 v2, v12;
	v13 =	vmin.u32 v13, $0x6227FF  }
.LBB2_32:
0x11d: {  	p1 =	sne.s32 s29, $0x7F0;
	v14 =	vor.u32 $0x1, v12;
	[tilespmem:s28+$0x0] =	vst v13  }
0x11e: {  	[tilespmem:v6+s12+$0x0] =	vst.idx.msk $0xffff, v8;
	v6 =	vmov v12  }
0x11f: {  	[tilespmem:v7+s12+$0x0] =	vst.idx.msk $0xffff, v10;
	v7 =	vmov v14  }
0x120: {  	[tilespmem:v9+s4+$0x0] =	vst.idx.add.s32.msk vm0, v11  }
0x121: {  	v8 =	vld.idx.msk [tilespmem:v12+s16+$0x0], $0xffff  }
0x122: {  	v10 =	vld.idx.msk [tilespmem:v14+s16+$0x0], $0xffff;
	_ =	sdelay $0x4  }
0x123: {  	v9 =	vshrl.u32 v8, $0xF  }
0x124: {  	(xrf1) =	vunique.msk.u32 $0xffff, v9;
	_ =	sdelay $0x7  }
0x125: {  	v11 =	vld.idx.msk [tilespmem:v9+s4+$0x0], $0xffff;
	_ =	sdelay $0x5  }
.Ltmp14:
0x126: {  	v12 =	vadd.s32 v5, v11;
	_, v11, vm0 =	vpop (xrf1);
	(pc) =	sbr.rel @p1 .LBB2_32-.Ltmp14, $4  }
0x127: {  	v12 =	vadd.s32 v11, v12  }
0x128: {  	v13 =	vmov s29;
	vm1 =	vgt.s32 v12, $0x0  }
0x129: {  	v13 =	vshll.u32 v13, $0x4;
	v14 =	vnsel vm1, $0x0, v12  }
0x12a: {  	s29 =	sadd.s32 $0x10, s29;
	s28 =	sadd.s32 $0x10, s28;
	v12 =	vor.u32 v2, v13;
	v13 =	vmin.u32 v14, $0x6227FF  }
0x12b: {  	_ =	sdelay $0x2  }
0x12c: {  	[tilespmem:s28+$0x0] =	vst v13  }
0x12d: {  	[tilespmem:v6+s12+$0x0] =	vst.idx.msk $0xffff, v8  }
0x12e: {  	[tilespmem:v7+s12+$0x0] =	vst.idx.msk $0xffff, v10  }
0x12f: {  	[tilespmem:v9+s4+$0x0] =	vst.idx.add.s32.msk vm0, v11  }
0x130: {  	v6 =	vld.idx.msk [tilespmem:v12+s16+$0x0], $0xffff;
	_ =	sdelay $0x4  }
0x131: {  	v7 =	vshrl.u32 v6, $0xF  }
0x132: {  	(xrf1) =	vunique.msk.u32 $0xffff, v7;
	_ =	sdelay $0x8  }
0x133: {  	v8 =	vld.idx.msk [tilespmem:v7+s4+$0x0], $0xffff;
	_ =	sdelay $0x1  }
0x134: {  	v62 =	vor.u32 $0x1, v12;
	_ =	sdelay $0x2  }
0x135: {  	v8 =	vadd.s32 v5, v8;
	_, v63, vm15 =	vpop (xrf1)  }
0x136: {  	v8 =	vadd.s32 v63, v8  }
0x137: {  	v11 =	vld.idx.msk [tilespmem:v62+s16+$0x0], $0xffff;
	vm1 =	vgt.s32 v8, $0x0  }
0x138: {  	v8 =	vnsel vm1, $0x0, v8  }
0x139: {  	s31 =	sadd.s32 $0x10, s28;
	v8 =	vmin.u32 v8, $0x6227FF  }
0x13a: {  	[tilespmem:s31+$0x0] =	vst v8  }
0x13b: {  	s26 =	sadd.s32 $0x1, s26;
	[tilespmem:v12+s12+$0x0] =	vst.idx.msk $0xffff, v6  }
0x13c: {  	p1 =	sne.s32 s26, $0x30;
	[tilespmem:v62+s12+$0x0] =	vst.idx.msk $0xffff, v11  }
.Ltmp15:
0x13d: {  	[tilespmem:v7+s4+$0x0] =	vst.idx.add.s32.msk vm15, v63;
	(pc) =	sbr.rel @p1 .LBB2_31-.Ltmp15, $4  }
0x13e: {  	[hbm4b:s3+s13] =	stream.indirect.scatter [tilespmem:s12], [sflag:$0x1], $0x10, s14, s13, $0xb8;
	[tilespmem:$0x1A000] =	vst v63  }
0x13f: {  	_ =	swait.ge [sflag:s15], $0x8000  }
0x140: {  	[sflag:s15] =	ssyncset.done $0x0  }
0x141: {  	[sflag:s15] =	ssyncadd.s32 $0xFFFF8000  }
0x142: {  	s25 =	simm.s32 $0x0  }
0x143: {  	s23 =	sshrl.u32 s23, $0x3;
	v6 =	vmov s25  }
0x144: {  	s23 =	sadd.s32 $0x30000, s23;
	v6 =	vshll.u32 v6, $0x4  }
0x145: {  	s26 =	sadd.s32 s23, s2;
	v6 =	vor.u32 v2, v6  }
0x146: {  	[tilespmem:s16], [sflag:$0x2] =	stream.linear.gather [hbm4b:s26+s25], $0x6A00, $0x38;
	[tilespmem:$0x1A000] =	vst v63  }
0x147: {  	_ =	swait.ge [sflag:s11], $0x6A00  }
0x148: {  	[sflag:s11] =	ssyncset.done $0x0  }
0x149: {  	[sflag:s11] =	ssyncadd.s32 $0xFFFF9600  }
0x14a: {  	v8 =	vld.idx.msk [tilespmem:v6+s16+$0x0], $0xffff;
	_ =	sdelay $0x4  }
0x14b: {  	v9 =	vshrl.u32 v8, $0xF  }
0x14c: {  	(xrf1) =	vunique.msk.u32 $0xffff, v9;
	_ =	sdelay $0x8  }
0x14d: {  	v10 =	vld.idx.msk [tilespmem:v9+s4+$0x0], $0xffff;
	_ =	sdelay $0x2  }
0x14e: {  	v7 =	vor.u32 $0x1, v6;
	_ =	sdelay $0x1  }
0x14f: {  	v10 =	vadd.s32 v5, v10;
	_, v11, vm0 =	vpop (xrf1)  }
0x150: {  	v10 =	vadd.s32 v11, v10  }
0x151: {  	s31 =	simm.s32 $0x10;
	vm1 =	vgt.s32 v10, $0x0  }
0x152: {  	v12 =	vmov s31;
	v13 =	vnsel vm1, $0x0, v10;
	v10 =	vld.idx.msk [tilespmem:v7+s16+$0x0], $0xffff  }
0x153: {  	v12 =	vshll.u32 v12, $0x4  }
0x154: {  	s25 =	simm.s32 $0x18800;
	v12 =	vor.u32 v2, v12;
	s26 =	simm.s32 $0x20;
	v13 =	vmin.u32 v13, $0x6227FF  }
.LBB2_35:
0x155: {  	p1 =	sne.s32 s26, $0x690;
	v14 =	vor.u32 $0x1, v12;
	[tilespmem:s25+$0x0] =	vst v13  }
0x156: {  	[tilespmem:v6+s12+$0x0] =	vst.idx.msk $0xffff, v8;
	v6 =	vmov v12  }
0x157: {  	[tilespmem:v7+s12+$0x0] =	vst.idx.msk $0xffff, v10;
	v7 =	vmov v14  }
0x158: {  	[tilespmem:v9+s4+$0x0] =	vst.idx.add.s32.msk vm0, v11  }
0x159: {  	v8 =	vld.idx.msk [tilespmem:v12+s16+$0x0], $0xffff  }
0x15a: {  	v10 =	vld.idx.msk [tilespmem:v14+s16+$0x0], $0xffff;
	_ =	sdelay $0x4  }
0x15b: {  	v9 =	vshrl.u32 v8, $0xF  }
0x15c: {  	(xrf1) =	vunique.msk.u32 $0xffff, v9;
	_ =	sdelay $0x7  }
0x15d: {  	v11 =	vld.idx.msk [tilespmem:v9+s4+$0x0], $0xffff;
	_ =	sdelay $0x5  }
.Ltmp16:
0x15e: {  	v12 =	vadd.s32 v5, v11;
	_, v11, vm0 =	vpop (xrf1);
	(pc) =	sbr.rel @p1 .LBB2_35-.Ltmp16, $4  }
0x15f: {  	v12 =	vadd.s32 v11, v12  }
0x160: {  	v13 =	vmov s26;
	vm1 =	vgt.s32 v12, $0x0  }
0x161: {  	v13 =	vshll.u32 v13, $0x4;
	v14 =	vnsel vm1, $0x0, v12  }
0x162: {  	s26 =	sadd.s32 $0x10, s26;
	s25 =	sadd.s32 $0x10, s25;
	v12 =	vor.u32 v2, v13;
	v13 =	vmin.u32 v14, $0x6227FF  }
0x163: {  	_ =	sdelay $0x2  }
0x164: {  	[tilespmem:s25+$0x0] =	vst v13  }
0x165: {  	[tilespmem:v6+s12+$0x0] =	vst.idx.msk $0xffff, v8  }
0x166: {  	[tilespmem:v7+s12+$0x0] =	vst.idx.msk $0xffff, v10  }
0x167: {  	[tilespmem:v9+s4+$0x0] =	vst.idx.add.s32.msk vm0, v11  }
0x168: {  	v6 =	vld.idx.msk [tilespmem:v12+s16+$0x0], $0xffff;
	_ =	sdelay $0x4  }
0x169: {  	v7 =	vshrl.u32 v6, $0xF  }
0x16a: {  	(xrf1) =	vunique.msk.u32 $0xffff, v7;
	_ =	sdelay $0x8  }
0x16b: {  	v8 =	vld.idx.msk [tilespmem:v7+s4+$0x0], $0xffff;
	_ =	sdelay $0x1  }
0x16c: {  	v62 =	vor.u32 $0x1, v12;
	_ =	sdelay $0x2  }
0x16d: {  	v5 =	vadd.s32 v5, v8;
	_, v63, vm15 =	vpop (xrf1)  }
0x16e: {  	v5 =	vadd.s32 v63, v5  }
0x16f: {  	v10 =	vld.idx.msk [tilespmem:v62+s16+$0x0], $0xffff;
	vm1 =	vgt.s32 v5, $0x0  }
0x170: {  	v5 =	vnsel vm1, $0x0, v5  }
0x171: {  	s31 =	sadd.s32 $0x10, s25;
	v5 =	vmin.u32 v5, $0x6227FF  }
0x172: {  	[tilespmem:s31+$0x0] =	vst v5  }
0x173: {  	[tilespmem:v12+s12+$0x0] =	vst.idx.msk $0xffff, v6  }
0x174: {  	s26 =	sadd.s32 $0x6A0, s24;
	[tilespmem:v62+s12+$0x0] =	vst.idx.msk $0xffff, v10  }
0x175: {  	s25 =	simm.s32 $0x18EA0;
	v5 =	vadd.s32 s26, v4;
	[tilespmem:v7+s4+$0x0] =	vst.idx.add.s32.msk vm15, v63  }
0x176: {  	s26 =	simm.s32 $0x6B0;
	[tilespmem:s25+$0x0] =	vst v5  }
.LBB2_37:
0x177: {  	p1 =	sne.s32 s26, $0x7F0  }
.Ltmp17:
0x178: {  	_ = 	snop;
	(pc) =	sbr.rel @p1 .LBB2_37-.Ltmp17, $4  }
0x179: {  	_ = 	snop  }
0x17a: {  	s28 =	sadd.s32 s24, s26;
	s26 =	sadd.s32 $0x10, s26  }
0x17b: {  	s25 =	sadd.s32 $0x10, s25;
	v5 =	vadd.s32 s28, v4  }
0x17c: {  	[tilespmem:s25+$0x0] =	vst v5  }
0x17d: {  	[hbm4b:s3+s13] =	stream.indirect.scatter [tilespmem:s12], [sflag:$0x1], $0x10, s14, s13, $0xb8;
	[tilespmem:$0x1A000] =	vst v63  }
0x17e: {  	_ =	swait.ge [sflag:s15], $0x8000  }
0x17f: {  	[sflag:s15] =	ssyncset.done $0x0  }
0x180: {  	s24 =	simm.s32 $0x0;
	s25 =	simm.s32 $0x0;
	[sflag:s15] =	ssyncadd.s32 $0xFFFF8000  }
.LBB2_39:
0x181: {  	s26 =	sshll.u32 s25, $0xB  }
0x182: {  	v5 =	vmov s24;
	s28 =	sadd.s32 s22, s26  }
0x183: {  	v5 =	vshll.u32 v5, $0x4;
	s28 =	sshll.u32 s28, $0x1  }
0x184: {  	v5 =	vor.u32 v2, v5;
	s28 =	sadd.s32 s3, s28  }
0x185: {  	v6 =	vor.u32 $0x1, v5;
	[tilespmem:s16], [sflag:$0x2] =	stream.linear.gather [hbm4b:s28+s24], $0x8000, $0x38;
	[tilespmem:$0x1A000] =	vst v63  }
0x186: {  	_ =	swait.ge [sflag:s11], $0x8000  }
0x187: {  	[sflag:s11] =	ssyncset.done $0x0  }
0x188: {  	s28 =	simm.s32 $0x10;
	[sflag:s11] =	ssyncadd.s32 $0xFFFF8000  }
0x189: {  	v7 =	vmov s28;
	v5 =	vld.idx.msk [tilespmem:v5+s16+$0x0], $0xffff  }
0x18a: {  	v7 =	vshll.u32 v7, $0x4;
	v6 =	vld.idx.msk [tilespmem:v6+s16+$0x0], $0xffff  }
0x18b: {  	v7 =	vor.u32 v2, v7  }
0x18c: {  	v8 =	vor.u32 $0x1, v7  }
0x18d: {  	s29 =	simm.s32 $0x19000  }
0x18e: {  	s28 =	simm.s32 $0x19800;
	[tilespmem:s29+$0x0] =	vst v5  }
0x18f: {  	[tilespmem:s28+$0x0] =	vst v6  }
0x190: {  	s30 =	simm.s32 $0x20;
	v5 =	vld.idx.msk [tilespmem:v7+s16+$0x0], $0xffff  }
0x191: {  	v7 =	vmov s30;
	s30 =	simm.s32 $0x30;
	v6 =	vld.idx.msk [tilespmem:v8+s16+$0x0], $0xffff  }
.LBB2_40:
0x192: {  	p1 =	sne.s32 s30, $0x7F0;
	v7 =	vshll.u32 v7, $0x4  }
0x193: {  	v7 =	vor.u32 v2, v7  }
0x194: {  	v8 =	vor.u32 $0x1, v7  }
.Ltmp18:
0x195: {  	s29 =	sadd.s32 $0x10, s29;
	(pc) =	sbr.rel @p1 .LBB2_40-.Ltmp18, $4  }
0x196: {  	s28 =	sadd.s32 $0x10, s28;
	[tilespmem:s29+$0x0] =	vst v5  }
0x197: {  	[tilespmem:s28+$0x0] =	vst v6  }
0x198: {  	v5 =	vld.idx.msk [tilespmem:v7+s16+$0x0], $0xffff  }
0x199: {  	v7 =	vmov s30;
	s30 =	sadd.s32 $0x10, s30;
	v6 =	vld.idx.msk [tilespmem:v8+s16+$0x0], $0xffff  }
0x19a: {  	v7 =	vshll.u32 v7, $0x4  }
0x19b: {  	v7 =	vor.u32 v2, v7  }
0x19c: {  	v8 =	vor.u32 $0x1, v7  }
0x19d: {  	s29 =	sadd.s32 $0x10, s29  }
0x19e: {  	s28 =	sadd.s32 $0x10, s28;
	[tilespmem:s29+$0x0] =	vst v5  }
0x19f: {  	[tilespmem:s28+$0x0] =	vst v6  }
0x1a0: {  	v5 =	vld.idx.msk [tilespmem:v7+s16+$0x0], $0xffff  }
0x1a1: {  	v6 =	vld.idx.msk [tilespmem:v8+s16+$0x0], $0xffff;
	_ =	sdelay $0x2  }
0x1a2: {  	s26 =	sadd.s32 s21, s26;
	s29 =	sadd.s32 $0x10, s29  }
0x1a3: {  	s26 =	sshrl.u32 s26, $0x3;
	s28 =	sadd.s32 $0x10, s28;
	[tilespmem:s29+$0x0] =	vst v5  }
0x1a4: {  	s31 =	sadd.s32 s6, s26;
	[tilespmem:s28+$0x0] =	vst v6  }
0x1a5: {  	[hbm4b:s31+s4] =	stream.linear.scatter [tilespmem:s17], [sflag:$0x2], $0x800, $0x38;
	[tilespmem:$0x1A000] =	vst v63  }
0x1a6: {  	s25 =	sadd.s32 $0x1, s25;
	_ =	swait.ge [sflag:s11], $0x800  }
0x1a7: {  	p1 =	sne.s32 s25, $0x30;
	[sflag:s11] =	ssyncset.done $0x0  }
.Ltmp19:
0x1a8: {  	s26 =	sadd.s32 s7, s26;
	[sflag:s11] =	ssyncadd.s32 $0xFFFFF800;
	(pc) =	sbr.rel @p1 .LBB2_39-.Ltmp19, $4  }
0x1a9: {  	[hbm4b:s26+s4] =	stream.linear.scatter [tilespmem:s18], [sflag:$0x2], $0x800, $0x38;
	[tilespmem:$0x1A000] =	vst v63  }
0x1aa: {  	_ =	swait.ge [sflag:s11], $0x800  }
0x1ab: {  	[sflag:s11] =	ssyncset.done $0x0  }
0x1ac: {  	[sflag:s11] =	ssyncadd.s32 $0xFFFFF800  }
0x1ad: {  	s21 =	simm.s32 $0x0  }
0x1ae: {  	v5 =	vmov s21  }
0x1af: {  	v5 =	vshll.u32 v5, $0x4  }
0x1b0: {  	s22 =	sadd.s32 s23, s3;
	v5 =	vor.u32 v2, v5  }
0x1b1: {  	[tilespmem:s16], [sflag:$0x2] =	stream.linear.gather [hbm4b:s22+s21], $0x6A00, $0x38;
	v6 =	vor.u32 $0x1, v5;
	[tilespmem:$0x1A000] =	vst v63  }
0x1b2: {  	_ =	swait.ge [sflag:s11], $0x6A00  }
0x1b3: {  	[sflag:s11] =	ssyncset.done $0x0  }
0x1b4: {  	s30 =	simm.s32 $0x10;
	[sflag:s11] =	ssyncadd.s32 $0xFFFF9600  }
0x1b5: {  	v7 =	vmov s30;
	v5 =	vld.idx.msk [tilespmem:v5+s16+$0x0], $0xffff  }
0x1b6: {  	v7 =	vshll.u32 v7, $0x4;
	v6 =	vld.idx.msk [tilespmem:v6+s16+$0x0], $0xffff  }
0x1b7: {  	v7 =	vor.u32 v2, v7  }
0x1b8: {  	v8 =	vor.u32 $0x1, v7  }
0x1b9: {  	s22 =	simm.s32 $0x19000  }
0x1ba: {  	s21 =	simm.s32 $0x19800;
	[tilespmem:s22+$0x0] =	vst v5  }
0x1bb: {  	[tilespmem:s21+$0x0] =	vst v6  }
0x1bc: {  	s31 =	simm.s32 $0x20;
	v5 =	vld.idx.msk [tilespmem:v7+s16+$0x0], $0xffff  }
0x1bd: {  	s23 =	simm.s32 $0x30;
	v7 =	vmov s31;
	v6 =	vld.idx.msk [tilespmem:v8+s16+$0x0], $0xffff  }
.LBB2_43:
0x1be: {  	p1 =	sne.s32 s23, $0x690;
	v7 =	vshll.u32 v7, $0x4  }
0x1bf: {  	v7 =	vor.u32 v2, v7  }
0x1c0: {  	v8 =	vor.u32 $0x1, v7  }
.Ltmp20:
0x1c1: {  	s22 =	sadd.s32 $0x10, s22;
	(pc) =	sbr.rel @p1 .LBB2_43-.Ltmp20, $4  }
0x1c2: {  	s21 =	sadd.s32 $0x10, s21;
	[tilespmem:s22+$0x0] =	vst v5  }
0x1c3: {  	[tilespmem:s21+$0x0] =	vst v6  }
0x1c4: {  	v5 =	vld.idx.msk [tilespmem:v7+s16+$0x0], $0xffff  }
0x1c5: {  	v7 =	vmov s23;
	s23 =	sadd.s32 $0x10, s23;
	v6 =	vld.idx.msk [tilespmem:v8+s16+$0x0], $0xffff  }
0x1c6: {  	v7 =	vshll.u32 v7, $0x4  }
0x1c7: {  	v7 =	vor.u32 v2, v7  }
0x1c8: {  	v8 =	vor.u32 $0x1, v7  }
0x1c9: {  	s22 =	sadd.s32 $0x10, s22  }
0x1ca: {  	s21 =	sadd.s32 $0x10, s21;
	[tilespmem:s22+$0x0] =	vst v5  }
0x1cb: {  	[tilespmem:s21+$0x0] =	vst v6  }
0x1cc: {  	v5 =	vld.idx.msk [tilespmem:v7+s16+$0x0], $0xffff  }
0x1cd: {  	v6 =	vld.idx.msk [tilespmem:v8+s16+$0x0], $0xffff;
	_ =	sdelay $0x2  }
0x1ce: {  	s22 =	sadd.s32 $0x10, s22  }
0x1cf: {  	s21 =	sadd.s32 $0x10, s21;
	[tilespmem:s22+$0x0] =	vst v5  }
0x1d0: {  	s30 =	sadd.s32 s6, s20;
	[tilespmem:s21+$0x0] =	vst v6  }
0x1d1: {  	[hbm4b:s30+s4] =	stream.linear.scatter [tilespmem:s17], [sflag:$0x2], $0x6A0, $0x38;
	[tilespmem:$0x1A000] =	vst v63  }
0x1d2: {  	_ =	swait.ge [sflag:s11], $0x6A0  }
0x1d3: {  	[sflag:s11] =	ssyncset.done $0x0  }
.Ltmp21:
0x1d4: {  	s31 =	sadd.s32 s7, s20;
	[sflag:s11] =	ssyncadd.s32 $0xFFFFF960;
	(pc) =	sbr.rel @p0 .LBB2_2-.Ltmp21, $4  }
0x1d5: {  	[hbm4b:s31+s4] =	stream.linear.scatter [tilespmem:s18], [sflag:$0x2], $0x6A0, $0x38;
	[tilespmem:$0x1A000] =	vst v63  }
0x1d6: {  	_ =	swait.ge [sflag:s11], $0x6A0  }
0x1d7: {  	[sflag:s11] =	ssyncset.done $0x0  }
0x1d8: {  	s20 =	simm.s32 $0x1;
	p1 =	por $0x0, $0x0;
	[sflag:s11] =	ssyncadd.s32 $0xFFFFF960  }
0x1d9: {  	s19 =	sadd.s32 $0x1, s19  }
0x1da: {  	p0 =	sne.s32 s19, s9  }
.Ltmp22:
0x1db: {  	_ = 	snop;
	(pc) =	sbr.rel @p0 .LBB2_1-.Ltmp22, $1  }
0x1dc: {  	_ =	sdelay $0x3  }
0x1dd: {  	_ =	sfence.sel $0x180000  }
0x1de: {  	[bflag:$0x0] =	sbarrier.arrive $0xFFFF  }
0x1df: {  	p0 =	sne.s32 s5, $0x0;
	_ =	strace $0x90000047  }
0x1e0: {  	s0 =	sadd.s32 @!p0 $0x100000, s0;
	[bflag:$0x2] =	sbarrier.arrive $0xFFFF  }
0x1e1: {  	[sflag:s0] =	ssyncadd.tile.s32 @!p0 $0x1;
	_ =	shalt  }
.Lfunc_end2:
_tile_overlayer_lowered:
.L_overlay_start_2:
0x1e2: {  	(tag) =	ssettag $0x2  }
0x1e3: {  	s0 =	rddreg [dreg:$0x0];
	s2 =	stileid.u32  }
0x1e4: {  	s1 =	rddreg [dreg:$0x1];
	p0 =	sne.s32 s2, $0x0  }
0x1e5: {  	s3 =	rddreg [dreg:$0x2];
	[bflag:$0x3] =	sbarrier.arrive $0xFFFF;
	s2 =	simm.s32 @!p0 $0x1C02  }
0x1e6: {  	[timem:s3], [sflag:s2] =	dma.local @!p0 [hbm:s0], s1  }
0x1e7: {  	s0 =	simm.s32 @!p0 $0x2  }
0x1e8: {  	_ =	swait.ge @!p0 [sflag:s0], s1  }
0x1e9: {  	s1 =	ssub.s32 @!p0 $0x0, s1;
	[sflag:s0] =	ssyncset.done @!p0 $0x0  }
0x1ea: {  	[sflag:s0] =	ssyncadd.s32 @!p0 s1  }
0x1eb: {  	[bflag:$0x3] =	sbarrier.arrive $0xFFFF  }
0x1ec: {  	_ =	shalt  }

</sc_bundles>
